<compile_context>
chip_gen: v7x
topology: tpu7x:2x2x1
jax: 0.10.2.dev20260603
libtpu: 0.0.44.dev20260713+nightly
codegen_flags: <defaults>
</compile_context>

<pallas_src>
import jax
import jax.numpy as jnp
from jax import lax
from jax.experimental import pallas as pl
from jax.experimental.pallas import tpu as pltpu
from jax.experimental.pallas import tpu_sc as plsc

N_NODES = 100000
N_PAD = 102400
E = 6400000
NW = 32

CHUNK = 2048
NBUF = 4
TOTAL_CHUNKS = E // CHUNK

_MESH = plsc.VectorSubcoreMesh(core_axis_name="c", subcore_axis_name="s")
_SC_PARAMS = pltpu.CompilerParams(needs_layout_passes=False)


def _tile_chunks(wid):
    first = wid * 98 - jnp.maximum(wid - 21, 0)
    count = jnp.where(wid < 21, 98, 97)
    return first, count


def _kernel_sc(out_type, scratch):
    def deco(body):
        return pl.kernel(
            body,
            out_type=out_type,
            mesh=_MESH,
            scratch_types=scratch,
            compiler_params=_SC_PARAMS,
        )
    return deco


@_kernel_sc(
    jax.ShapeDtypeStruct((NW * N_PAD,), jnp.float32),
    [
        pltpu.VMEM((2, NBUF * CHUNK), jnp.int32),
        pltpu.VMEM((N_PAD,), jnp.float32),
        pltpu.SemaphoreType.DMA,
    ],
)
def _hist_kernel(edge_hbm, out_hbm, edge_v, hist_v, sem_in):
    cid = lax.axis_index("c")
    sid = lax.axis_index("s")
    wid = cid * 16 + sid
    first, count = _tile_chunks(wid)
    ebase = first * CHUNK

    for p in range(NBUF):
        pltpu.async_copy(
            edge_hbm.at[:, pl.ds(ebase + p * CHUNK, CHUNK)],
            edge_v.at[:, pl.ds(p * CHUNK, CHUNK)],
            sem_in,
        )

    zeros16 = jnp.zeros((16,), jnp.float32)

    @plsc.parallel_loop(0, N_PAD, 16, unroll=16)
    def _(i):
        hist_v[pl.ds(i, 16)] = zeros16

    ones16 = jnp.ones((16,), jnp.float32)

    def chunk_body(k, carry):
        boff = lax.rem(k, NBUF) * CHUNK
        pltpu.make_async_copy(
            edge_hbm.at[:, pl.ds(ebase + k * CHUNK, CHUNK)],
            edge_v.at[:, pl.ds(boff, CHUNK)],
            sem_in,
        ).wait()

        @plsc.parallel_loop(0, CHUNK, 16, unroll=16)
        def _(g):
            x = edge_v[1, pl.ds(boff + g, 16)]
            plsc.addupdate_scatter(hist_v, [x], ones16)

        @pl.when(k + NBUF < count)
        def _():
            pltpu.async_copy(
                edge_hbm.at[:, pl.ds(ebase + (k + NBUF) * CHUNK, CHUNK)],
                edge_v.at[:, pl.ds(boff, CHUNK)],
                sem_in,
            )

        return carry

    lax.fori_loop(0, count, chunk_body, 0)
    pltpu.sync_copy(hist_v, out_hbm.at[pl.ds(wid * N_PAD, N_PAD)])


def _reduce_body(h_ref, o_ref):
    deg = jnp.sum(h_ref[...], axis=0)
    o_ref[...] = jnp.where(deg > 0.0, lax.rsqrt(deg), 0.0)


def _deg_inv_sqrt(hist_flat):
    return pl.pallas_call(
        _reduce_body,
        out_shape=jax.ShapeDtypeStruct((N_PAD // 128, 128), jnp.float32),
    )(hist_flat.reshape(NW, N_PAD // 128, 128))


@_kernel_sc(
    jax.ShapeDtypeStruct((E,), jnp.float32),
    [
        pltpu.VMEM((N_PAD,), jnp.float32),
        pltpu.VMEM((2, NBUF * CHUNK), jnp.int32),
        pltpu.VMEM((NBUF * CHUNK,), jnp.float32),
        pltpu.SemaphoreType.DMA,
        pltpu.SemaphoreType.DMA,
    ],
)
def _norm_kernel(edge_hbm, dis_hbm, out_hbm, tab_v, edge_v, out_v, sem_in, sem_o):
    cid = lax.axis_index("c")
    sid = lax.axis_index("s")
    wid = cid * 16 + sid
    first, count = _tile_chunks(wid)
    ebase = first * CHUNK

    for p in range(NBUF):
        pltpu.async_copy(
            edge_hbm.at[:, pl.ds(ebase + p * CHUNK, CHUNK)],
            edge_v.at[:, pl.ds(p * CHUNK, CHUNK)],
            sem_in,
        )
    pltpu.sync_copy(dis_hbm, tab_v)

    def chunk_body(k, carry):
        boff = lax.rem(k, NBUF) * CHUNK
        base = ebase + k * CHUNK
        pltpu.make_async_copy(
            edge_hbm.at[:, pl.ds(base, CHUNK)],
            edge_v.at[:, pl.ds(boff, CHUNK)],
            sem_in,
        ).wait()

        @pl.when(k >= NBUF)
        def _():
            pltpu.make_async_copy(
                out_v.at[pl.ds(boff, CHUNK)], out_hbm.at[pl.ds(base, CHUNK)], sem_o
            ).wait()

        @plsc.parallel_loop(0, CHUNK, 16, unroll=16)
        def _(g):
            off = boff + g
            r = edge_v[0, pl.ds(off, 16)]
            c = edge_v[1, pl.ds(off, 16)]
            a = plsc.load_gather(tab_v, [r])
            bb = plsc.load_gather(tab_v, [c])
            out_v[pl.ds(off, 16)] = a * bb

        pltpu.async_copy(out_v.at[pl.ds(boff, CHUNK)], out_hbm.at[pl.ds(base, CHUNK)], sem_o)

        @pl.when(k + NBUF < count)
        def _():
            pltpu.async_copy(
                edge_hbm.at[:, pl.ds(base + NBUF * CHUNK, CHUNK)],
                edge_v.at[:, pl.ds(boff, CHUNK)],
                sem_in,
            )

        return carry

    lax.fori_loop(0, count, chunk_body, 0)
    last = ebase + (count - 1) * CHUNK
    for _ in range(NBUF):
        pltpu.make_async_copy(
            out_v.at[pl.ds(0, CHUNK)], out_hbm.at[pl.ds(last, CHUNK)], sem_o
        ).wait()


def kernel(edge_index, num_nodes):
    del num_nodes
    hist_flat = _hist_kernel(edge_index)
    dis = _deg_inv_sqrt(hist_flat).reshape(N_PAD)
    return _norm_kernel(edge_index, dis)

# --- scband reference (transcript-rebuilt; emitter-appended) ---
"""Pipeline reference for scband-preprocess-gcnnorm-41807211659483 (READ-ONLY COPY).

The authoritative reference and input builder live on the scoring server;
editing this copy changes nothing except your own understanding.
"""

import jax, jax.numpy as jnp
import numpy as np


def setup_inputs(seed: int = 0) -> dict:
    key = jax.random.key(seed)
    num_nodes = 100000
    E = 6400000
    edge_index = jax.random.randint(key, (2, E), 0, num_nodes, dtype=jnp.int32)
    return {"edge_index": edge_index, "num_nodes": num_nodes}


def reference(edge_index, num_nodes):
    row = edge_index[0]
    col = edge_index[1] + (num_nodes - num_nodes)
    ones = jnp.ones(edge_index.shape[1], dtype=jnp.float32)
    deg = jnp.zeros((100000,), dtype=jnp.float32).at[col].add(ones)
    deg_inv_sqrt = deg ** -0.5
    deg_inv_sqrt = jnp.where(jnp.isinf(deg_inv_sqrt), 0.0, deg_inv_sqrt)
    norm = deg_inv_sqrt[row] * deg_inv_sqrt[col]
    return norm

if __name__ == "__main__":
    import jax
    _d = setup_inputs()
    print(jax.jit(kernel)(*tuple(_d.values())))

</pallas_src>

<mosaic_0001>
#map = affine_map<(d0, d1) -> (0, 0)>
#map1 = affine_map<(d0, d1) -> (0)>
module attributes {stable_mosaic.version = 14 : i64} {
  func.func @_hist_kernel(%arg0: i32, %arg1: i32, %arg2: memref<2x6400000xi32, #tpu.memory_space<hbm>>, %arg3: memref<3276800xf32, #tpu.memory_space<hbm>>, %arg4: memref<2x8192xi32, #tpu.memory_space<vmem>>, %arg5: memref<102400xf32, #tpu.memory_space<vmem>>, %arg6: memref<!tpu.dma_semaphore, #tpu.memory_space<semaphore_mem>>) attributes {dimension_semantics = [#tpu.dimension_semantics<core_parallel>, #tpu.dimension_semantics<subcore_parallel>], iteration_bounds = array<i64: 2, 16>, scalar_prefetch = 0 : i64, scratch_operands = 3 : i64, tpu.core_type = #tpu.core_type<sc_vector_subcore>, window_params = [{transform_indices = #map}, {transform_indices = #map1}]} {
    %mul3A = arith.constant 16 : i32
    %mul3A_0 = arith.muli %arg0, %mul3A : i32
    %add3A = arith.addi %mul3A_0, %arg1 : i32
    %mul3A_1 = arith.constant 98 : i32
    %mul3A_2 = arith.muli %add3A, %mul3A_1 : i32
    %sub3A = arith.constant 21 : i32
    %sub3A_3 = arith.subi %add3A, %sub3A : i32
    %max3A = arith.constant 0 : i32
    %max3A_4 = arith.maxsi %sub3A_3, %max3A : i32
    %sub3A_5 = arith.subi %mul3A_2, %max3A_4 : i32
    %lt3A = arith.constant 21 : i32
    %lt3A_6 = arith.cmpi slt, %add3A, %lt3A : i32
    %jit3A = arith.constant 98 : i32
    %jit3A_7 = arith.constant 97 : i32
    %select_n3A = arith.select %lt3A_6, %jit3A, %jit3A_7 : i32
    %mul3A_8 = arith.constant 2048 : i32
    %mul3A_9 = arith.muli %sub3A_5, %mul3A_8 : i32
    %add3A_10 = arith.constant 0 : i32
    %add3A_11 = arith.addi %mul3A_9, %add3A_10 : i32
    %dma_start3A = arith.constant 0 : i32
    %dma_start3A_12 = arith.constant 0 : i32
    %dma_start3A_13 = tpu.memref_slice %arg4[%dma_start3A, %dma_start3A_12] : memref<2x8192xi32, #tpu.memory_space<vmem>> -> memref<2x2048xi32, #tpu.memory_space<vmem>>
    %dma_start3A_14 = arith.constant 0 : i32
    %dma_start3A_15 = tpu.memref_slice %arg2[%dma_start3A_14, %add3A_11] : memref<2x6400000xi32, #tpu.memory_space<hbm>> -> memref<2x2048xi32, #tpu.memory_space<hbm>>
    %dma_start3A_16 = arith.constant 0 : i32
    %dma_start3A_17 = arith.constant 0 : i32
    %dma_start3A_18 = tpu.memref_slice %arg4[%dma_start3A_16, %dma_start3A_17] : memref<2x8192xi32, #tpu.memory_space<vmem>> -> memref<2x2048xi32, #tpu.memory_space<vmem>>
    %dma_start3A_19 = arith.constant 0 : i32
    %dma_start3A_20 = tpu.memref_slice %arg2[%dma_start3A_19, %add3A_11] : memref<2x6400000xi32, #tpu.memory_space<hbm>> -> memref<2x2048xi32, #tpu.memory_space<hbm>>
    tpu.enqueue_dma source(%dma_start3A_20 : memref<2x2048xi32, #tpu.memory_space<hbm>>) target(%dma_start3A_18 : memref<2x2048xi32, #tpu.memory_space<vmem>>) target_semaphore(%arg6 : memref<!tpu.dma_semaphore, #tpu.memory_space<semaphore_mem>>)
    %add3A_21 = arith.constant 2048 : i32
    %add3A_22 = arith.addi %mul3A_9, %add3A_21 : i32
    %dma_start3A_23 = arith.constant 0 : i32
    %dma_start3A_24 = arith.constant 2048 : i32
    %dma_start3A_25 = tpu.memref_slice %arg4[%dma_start3A_23, %dma_start3A_24] : memref<2x8192xi32, #tpu.memory_space<vmem>> -> memref<2x2048xi32, #tpu.memory_space<vmem>>
    %dma_start3A_26 = arith.constant 0 : i32
    %dma_start3A_27 = tpu.memref_slice %arg2[%dma_start3A_26, %add3A_22] : memref<2x6400000xi32, #tpu.memory_space<hbm>> -> memref<2x2048xi32, #tpu.memory_space<hbm>>
    %dma_start3A_28 = arith.constant 0 : i32
    %dma_start3A_29 = arith.constant 2048 : i32
    %dma_start3A_30 = tpu.memref_slice %arg4[%dma_start3A_28, %dma_start3A_29] : memref<2x8192xi32, #tpu.memory_space<vmem>> -> memref<2x2048xi32, #tpu.memory_space<vmem>>
    %dma_start3A_31 = arith.constant 0 : i32
    %dma_start3A_32 = tpu.memref_slice %arg2[%dma_start3A_31, %add3A_22] : memref<2x6400000xi32, #tpu.memory_space<hbm>> -> memref<2x2048xi32, #tpu.memory_space<hbm>>
    tpu.enqueue_dma source(%dma_start3A_32 : memref<2x2048xi32, #tpu.memory_space<hbm>>) target(%dma_start3A_30 : memref<2x2048xi32, #tpu.memory_space<vmem>>) target_semaphore(%arg6 : memref<!tpu.dma_semaphore, #tpu.memory_space<semaphore_mem>>)
    %add3A_33 = arith.constant 4096 : i32
    %add3A_34 = arith.addi %mul3A_9, %add3A_33 : i32
    %dma_start3A_35 = arith.constant 0 : i32
    %dma_start3A_36 = arith.constant 4096 : i32
    %dma_start3A_37 = tpu.memref_slice %arg4[%dma_start3A_35, %dma_start3A_36] : memref<2x8192xi32, #tpu.memory_space<vmem>> -> memref<2x2048xi32, #tpu.memory_space<vmem>>
    %dma_start3A_38 = arith.constant 0 : i32
    %dma_start3A_39 = tpu.memref_slice %arg2[%dma_start3A_38, %add3A_34] : memref<2x6400000xi32, #tpu.memory_space<hbm>> -> memref<2x2048xi32, #tpu.memory_space<hbm>>
    %dma_start3A_40 = arith.constant 0 : i32
    %dma_start3A_41 = arith.constant 4096 : i32
    %dma_start3A_42 = tpu.memref_slice %arg4[%dma_start3A_40, %dma_start3A_41] : memref<2x8192xi32, #tpu.memory_space<vmem>> -> memref<2x2048xi32, #tpu.memory_space<vmem>>
    %dma_start3A_43 = arith.constant 0 : i32
    %dma_start3A_44 = tpu.memref_slice %arg2[%dma_start3A_43, %add3A_34] : memref<2x6400000xi32, #tpu.memory_space<hbm>> -> memref<2x2048xi32, #tpu.memory_space<hbm>>
    tpu.enqueue_dma source(%dma_start3A_44 : memref<2x2048xi32, #tpu.memory_space<hbm>>) target(%dma_start3A_42 : memref<2x2048xi32, #tpu.memory_space<vmem>>) target_semaphore(%arg6 : memref<!tpu.dma_semaphore, #tpu.memory_space<semaphore_mem>>)
    %add3A_45 = arith.constant 6144 : i32
    %add3A_46 = arith.addi %mul3A_9, %add3A_45 : i32
    %dma_start3A_47 = arith.constant 0 : i32
    %dma_start3A_48 = arith.constant 6144 : i32
    %dma_start3A_49 = tpu.memref_slice %arg4[%dma_start3A_47, %dma_start3A_48] : memref<2x8192xi32, #tpu.memory_space<vmem>> -> memref<2x2048xi32, #tpu.memory_space<vmem>>
    %dma_start3A_50 = arith.constant 0 : i32
    %dma_start3A_51 = tpu.memref_slice %arg2[%dma_start3A_50, %add3A_46] : memref<2x6400000xi32, #tpu.memory_space<hbm>> -> memref<2x2048xi32, #tpu.memory_space<hbm>>
    %dma_start3A_52 = arith.constant 0 : i32
    %dma_start3A_53 = arith.constant 6144 : i32
    %dma_start3A_54 = tpu.memref_slice %arg4[%dma_start3A_52, %dma_start3A_53] : memref<2x8192xi32, #tpu.memory_space<vmem>> -> memref<2x2048xi32, #tpu.memory_space<vmem>>
    %dma_start3A_55 = arith.constant 0 : i32
    %dma_start3A_56 = tpu.memref_slice %arg2[%dma_start3A_55, %add3A_46] : memref<2x6400000xi32, #tpu.memory_space<hbm>> -> memref<2x2048xi32, #tpu.memory_space<hbm>>
    tpu.enqueue_dma source(%dma_start3A_56 : memref<2x2048xi32, #tpu.memory_space<hbm>>) target(%dma_start3A_54 : memref<2x2048xi32, #tpu.memory_space<vmem>>) target_semaphore(%arg6 : memref<!tpu.dma_semaphore, #tpu.memory_space<semaphore_mem>>)
    %broadcast_in_dim3A = arith.constant 0.000000e+00 : f32
    %broadcast_in_dim3A_57 = vector.broadcast %broadcast_in_dim3A : f32 to vector<16xf32>
    %parallel_loop3A = arith.constant 0 : i32
    %parallel_loop3A_58 = arith.constant 102400 : i32
    %parallel_loop3A_59 = arith.constant 16 : i32
    scf.for %parallel_loop3A_73 = %parallel_loop3A to %parallel_loop3A_58 step %parallel_loop3A_59  : i32 {
      %parallel_loop3A_74 = arith.index_cast %parallel_loop3A_73 : i32 to index
      %parallel_loop3A_75 = tpu.vector_load %arg5[%parallel_loop3A_74] {strides = array<i32>} : memref<102400xf32, #tpu.memory_space<vmem>>, vector<16xf32>,
      tpu.vector_store %arg5[%parallel_loop3A_74], %broadcast_in_dim3A_57 {strides = array<i32>} : memref<102400xf32, #tpu.memory_space<vmem>>, vector<16xf32>,
    } {sc.loop_unroll_factor = 16 : i64, sc.parallel_access}
    %broadcast_in_dim3A_60 = arith.constant 1.000000e+00 : f32
    %broadcast_in_dim3A_61 = vector.broadcast %broadcast_in_dim3A_60 : f32 to vector<16xf32>
    %while3A = arith.constant 0 : i32
    %while3A_62 = arith.constant 0 : i32
    %while3A_63 = arith.subi %select_n3A, %while3A_62 : i32
    %while3A_64 = arith.addi %while3A_62, %while3A_63 : i32
    %while3A_65 = arith.constant 1 : i32
    %while3A_66 = arith.divsi %while3A_63, %while3A_65 : i32
    %while3A_67 = arith.muli %while3A_66, %while3A_65 : i32
    %while3A_68 = arith.addi %while3A_62, %while3A_67 : i32
    %while3A_69 = arith.constant 1 : i32
    scf.for %while3A_73 = %while3A_62 to %while3A_68 step %while3A_69  : i32 {
      %rem3A = arith.constant 4 : i32
      %rem3A_74 = arith.remsi %while3A_73, %rem3A : i32
      %mul3A_75 = arith.constant 2048 : i32
      %mul3A_76 = arith.muli %rem3A_74, %mul3A_75 : i32
      %mul3A_77 = arith.constant 2048 : i32
      %mul3A_78 = arith.muli %while3A_73, %mul3A_77 : i32
      %add3A_79 = arith.addi %mul3A_9, %mul3A_78 : i32
      %dma_wait3A = arith.constant 0 : i32
      %dma_wait3A_80 = tpu.memref_slice %arg4[%dma_wait3A, %mul3A_76] : memref<2x8192xi32, #tpu.memory_space<vmem>> -> memref<2x2048xi32, #tpu.memory_space<vmem>>
      %dma_wait3A_81 = arith.constant 0 : i32
      %dma_wait3A_82 = tpu.memref_slice %arg2[%dma_wait3A_81, %add3A_79] : memref<2x6400000xi32, #tpu.memory_space<hbm>> -> memref<2x2048xi32, #tpu.memory_space<hbm>>
      %dma_wait3A_83 = arith.constant 0 : i32
      %dma_wait3A_84 = tpu.memref_slice %arg4[%dma_wait3A_83, %mul3A_76] : memref<2x8192xi32, #tpu.memory_space<vmem>> -> memref<2x2048xi32, #tpu.memory_space<vmem>>
      %dma_wait3A_85 = arith.constant 0 : i32
      %dma_wait3A_86 = tpu.memref_slice %arg2[%dma_wait3A_85, %add3A_79] : memref<2x6400000xi32, #tpu.memory_space<hbm>> -> memref<2x2048xi32, #tpu.memory_space<hbm>>
      tpu.wait_dma2 semaphore(%arg6 : memref<!tpu.dma_semaphore, #tpu.memory_space<semaphore_mem>>) src(%dma_wait3A_86 : memref<2x2048xi32, #tpu.memory_space<hbm>>) dst(%dma_wait3A_84 : memref<2x2048xi32, #tpu.memory_space<vmem>>)
      %parallel_loop3A_87 = arith.constant 0 : i32
      %parallel_loop3A_88 = arith.constant 2048 : i32
      %parallel_loop3A_89 = arith.constant 16 : i32
      scf.for %parallel_loop3A_94 = %parallel_loop3A_87 to %parallel_loop3A_88 step %parallel_loop3A_89  : i32 {
        %parallel_loop3A_95 = arith.addi %mul3A_76, %parallel_loop3A_94 : i32
        %parallel_loop3A_96 = arith.constant 1 : i32
        %parallel_loop3A_97 = arith.index_cast %parallel_loop3A_96 : i32 to index
        %parallel_loop3A_98 = arith.index_cast %parallel_loop3A_95 : i32 to index
        %parallel_loop3A_99 = tpu.vector_load %arg4[%parallel_loop3A_97, %parallel_loop3A_98] {strides = array<i32>} : memref<2x8192xi32, #tpu.memory_space<vmem>>, vector<16xi32>,
        tpu.vector_store_idx %arg5[%parallel_loop3A_99], %broadcast_in_dim3A_61 {add = true} : memref<102400xf32, #tpu.memory_space<vmem>>[vector<16xi32>], vector<16xf32>,
      } {sc.loop_unroll_factor = 16 : i64, sc.parallel_access}
      %add3A_90 = arith.constant 4 : i32
      %add3A_91 = arith.addi %while3A_73, %add3A_90 : i32
      %lt3A_92 = arith.cmpi slt, %add3A_91, %select_n3A : i32
      %convert_element_type3A = arith.extui %lt3A_92 : i1 to i32
      %cond3A = arith.constant 0 : i32
      %cond3A_93 = arith.cmpi ne, %convert_element_type3A, %cond3A : i32
      scf.if %cond3A_93 {
        %add3A_94 = arith.constant 4 : i32
        %add3A_95 = arith.addi %while3A_73, %add3A_94 : i32
        %mul3A_96 = arith.constant 2048 : i32
        %mul3A_97 = arith.muli %add3A_95, %mul3A_96 : i32
        %add3A_98 = arith.addi %mul3A_9, %mul3A_97 : i32
        %dma_start3A_99 = arith.constant 0 : i32
        %dma_start3A_100 = tpu.memref_slice %arg4[%dma_start3A_99, %mul3A_76] : memref<2x8192xi32, #tpu.memory_space<vmem>> -> memref<2x2048xi32, #tpu.memory_space<vmem>>
        %dma_start3A_101 = arith.constant 0 : i32
        %dma_start3A_102 = tpu.memref_slice %arg2[%dma_start3A_101, %add3A_98] : memref<2x6400000xi32, #tpu.memory_space<hbm>> -> memref<2x2048xi32, #tpu.memory_space<hbm>>
        %dma_start3A_103 = arith.constant 0 : i32
        %dma_start3A_104 = tpu.memref_slice %arg4[%dma_start3A_103, %mul3A_76] : memref<2x8192xi32, #tpu.memory_space<vmem>> -> memref<2x2048xi32, #tpu.memory_space<vmem>>
        %dma_start3A_105 = arith.constant 0 : i32
        %dma_start3A_106 = tpu.memref_slice %arg2[%dma_start3A_105, %add3A_98] : memref<2x6400000xi32, #tpu.memory_space<hbm>> -> memref<2x2048xi32, #tpu.memory_space<hbm>>
        tpu.enqueue_dma source(%dma_start3A_106 : memref<2x2048xi32, #tpu.memory_space<hbm>>) target(%dma_start3A_104 : memref<2x2048xi32, #tpu.memory_space<vmem>>) target_semaphore(%arg6 : memref<!tpu.dma_semaphore, #tpu.memory_space<semaphore_mem>>)
      } else {
      }
    }
    %while3A_70 = arith.constant 1 : i32
    scf.for %while3A_73 = %while3A_68 to %while3A_64 step %while3A_70  : i32 {
      %rem3A = arith.constant 4 : i32
      %rem3A_74 = arith.remsi %while3A_73, %rem3A : i32
      %mul3A_75 = arith.constant 2048 : i32
      %mul3A_76 = arith.muli %rem3A_74, %mul3A_75 : i32
      %mul3A_77 = arith.constant 2048 : i32
      %mul3A_78 = arith.muli %while3A_73, %mul3A_77 : i32
      %add3A_79 = arith.addi %mul3A_9, %mul3A_78 : i32
      %dma_wait3A = arith.constant 0 : i32
      %dma_wait3A_80 = tpu.memref_slice %arg4[%dma_wait3A, %mul3A_76] : memref<2x8192xi32, #tpu.memory_space<vmem>> -> memref<2x2048xi32, #tpu.memory_space<vmem>>
      %dma_wait3A_81 = arith.constant 0 : i32
      %dma_wait3A_82 = tpu.memref_slice %arg2[%dma_wait3A_81, %add3A_79] : memref<2x6400000xi32, #tpu.memory_space<hbm>> -> memref<2x2048xi32, #tpu.memory_space<hbm>>
      %dma_wait3A_83 = arith.constant 0 : i32
      %dma_wait3A_84 = tpu.memref_slice %arg4[%dma_wait3A_83, %mul3A_76] : memref<2x8192xi32, #tpu.memory_space<vmem>> -> memref<2x2048xi32, #tpu.memory_space<vmem>>
      %dma_wait3A_85 = arith.constant 0 : i32
      %dma_wait3A_86 = tpu.memref_slice %arg2[%dma_wait3A_85, %add3A_79] : memref<2x6400000xi32, #tpu.memory_space<hbm>> -> memref<2x2048xi32, #tpu.memory_space<hbm>>
      tpu.wait_dma2 semaphore(%arg6 : memref<!tpu.dma_semaphore, #tpu.memory_space<semaphore_mem>>) src(%dma_wait3A_86 : memref<2x2048xi32, #tpu.memory_space<hbm>>) dst(%dma_wait3A_84 : memref<2x2048xi32, #tpu.memory_space<vmem>>)
      %parallel_loop3A_87 = arith.constant 0 : i32
      %parallel_loop3A_88 = arith.constant 2048 : i32
      %parallel_loop3A_89 = arith.constant 16 : i32
      scf.for %parallel_loop3A_94 = %parallel_loop3A_87 to %parallel_loop3A_88 step %parallel_loop3A_89  : i32 {
        %parallel_loop3A_95 = arith.addi %mul3A_76, %parallel_loop3A_94 : i32
        %parallel_loop3A_96 = arith.constant 1 : i32
        %parallel_loop3A_97 = arith.index_cast %parallel_loop3A_96 : i32 to index
        %parallel_loop3A_98 = arith.index_cast %parallel_loop3A_95 : i32 to index
        %parallel_loop3A_99 = tpu.vector_load %arg4[%parallel_loop3A_97, %parallel_loop3A_98] {strides = array<i32>} : memref<2x8192xi32, #tpu.memory_space<vmem>>, vector<16xi32>,
        tpu.vector_store_idx %arg5[%parallel_loop3A_99], %broadcast_in_dim3A_61 {add = true} : memref<102400xf32, #tpu.memory_space<vmem>>[vector<16xi32>], vector<16xf32>,
      } {sc.loop_unroll_factor = 16 : i64, sc.parallel_access}
      %add3A_90 = arith.constant 4 : i32
      %add3A_91 = arith.addi %while3A_73, %add3A_90 : i32
      %lt3A_92 = arith.cmpi slt, %add3A_91, %select_n3A : i32
      %convert_element_type3A = arith.extui %lt3A_92 : i1 to i32
      %cond3A = arith.constant 0 : i32
      %cond3A_93 = arith.cmpi ne, %convert_element_type3A, %cond3A : i32
      scf.if %cond3A_93 {
        %add3A_94 = arith.constant 4 : i32
        %add3A_95 = arith.addi %while3A_73, %add3A_94 : i32
        %mul3A_96 = arith.constant 2048 : i32
        %mul3A_97 = arith.muli %add3A_95, %mul3A_96 : i32
        %add3A_98 = arith.addi %mul3A_9, %mul3A_97 : i32
        %dma_start3A_99 = arith.constant 0 : i32
        %dma_start3A_100 = tpu.memref_slice %arg4[%dma_start3A_99, %mul3A_76] : memref<2x8192xi32, #tpu.memory_space<vmem>> -> memref<2x2048xi32, #tpu.memory_space<vmem>>
        %dma_start3A_101 = arith.constant 0 : i32
        %dma_start3A_102 = tpu.memref_slice %arg2[%dma_start3A_101, %add3A_98] : memref<2x6400000xi32, #tpu.memory_space<hbm>> -> memref<2x2048xi32, #tpu.memory_space<hbm>>
        %dma_start3A_103 = arith.constant 0 : i32
        %dma_start3A_104 = tpu.memref_slice %arg4[%dma_start3A_103, %mul3A_76] : memref<2x8192xi32, #tpu.memory_space<vmem>> -> memref<2x2048xi32, #tpu.memory_space<vmem>>
        %dma_start3A_105 = arith.constant 0 : i32
        %dma_start3A_106 = tpu.memref_slice %arg2[%dma_start3A_105, %add3A_98] : memref<2x6400000xi32, #tpu.memory_space<hbm>> -> memref<2x2048xi32, #tpu.memory_space<hbm>>
        tpu.enqueue_dma source(%dma_start3A_106 : memref<2x2048xi32, #tpu.memory_space<hbm>>) target(%dma_start3A_104 : memref<2x2048xi32, #tpu.memory_space<vmem>>) target_semaphore(%arg6 : memref<!tpu.dma_semaphore, #tpu.memory_space<semaphore_mem>>)
      } else {
      }
    }
    %mul3A_71 = arith.constant 102400 : i32
    %mul3A_72 = arith.muli %add3A, %mul3A_71 : i32
    "tpu.region"() ({
      %run_scoped3A = tpu.sem_alloc : memref<!tpu.dma_semaphore, #tpu.memory_space<semaphore_mem>>
      %dma_start3A_73 = tpu.memref_slice %arg3[%mul3A_72] : memref<3276800xf32, #tpu.memory_space<hbm>> -> memref<102400xf32, #tpu.memory_space<hbm>>
      %dma_start3A_74 = tpu.memref_slice %arg3[%mul3A_72] : memref<3276800xf32, #tpu.memory_space<hbm>> -> memref<102400xf32, #tpu.memory_space<hbm>>
      tpu.enqueue_dma source(%arg5 : memref<102400xf32, #tpu.memory_space<vmem>>) target(%dma_start3A_74 : memref<102400xf32, #tpu.memory_space<hbm>>) target_semaphore(%run_scoped3A : memref<!tpu.dma_semaphore, #tpu.memory_space<semaphore_mem>>)
      %dma_wait3A = tpu.memref_slice %arg3[%mul3A_72] : memref<3276800xf32, #tpu.memory_space<hbm>> -> memref<102400xf32, #tpu.memory_space<hbm>>
      %dma_wait3A_75 = tpu.memref_slice %arg3[%mul3A_72] : memref<3276800xf32, #tpu.memory_space<hbm>> -> memref<102400xf32, #tpu.memory_space<hbm>>
      tpu.wait_dma2 semaphore(%run_scoped3A : memref<!tpu.dma_semaphore, #tpu.memory_space<semaphore_mem>>) src(%arg5 : memref<102400xf32, #tpu.memory_space<vmem>>) dst(%dma_wait3A_75 : memref<102400xf32, #tpu.memory_space<hbm>>)
      tpu.yield
    }) : () -> ()
    return
  }
}

#map = affine_map<(d0, d1) -> (0, 0)>
#map1 = affine_map<(d0, d1) -> (0)>
module attributes {stable_mosaic.version = 14 : i64} {
  func.func @_norm_kernel(%arg0: i32, %arg1: i32, %arg2: memref<2x6400000xi32, #tpu.memory_space<hbm>>, %arg3: memref<102400xf32, #tpu.memory_space<hbm>>, %arg4: memref<6400000xf32, #tpu.memory_space<hbm>>, %arg5: memref<102400xf32, #tpu.memory_space<vmem>>, %arg6: memref<2x8192xi32, #tpu.memory_space<vmem>>, %arg7: memref<8192xf32, #tpu.memory_space<vmem>>, %arg8: memref<!tpu.dma_semaphore, #tpu.memory_space<semaphore_mem>>, %arg9: memref<!tpu.dma_semaphore, #tpu.memory_space<semaphore_mem>>) attributes {dimension_semantics = [#tpu.dimension_semantics<core_parallel>, #tpu.dimension_semantics<subcore_parallel>], iteration_bounds = array<i64: 2, 16>, scalar_prefetch = 0 : i64, scratch_operands = 5 : i64, tpu.core_type = #tpu.core_type<sc_vector_subcore>, window_params = [{transform_indices = #map}, {transform_indices = #map1}, {transform_indices = #map1}]} {
    %mul3A = arith.constant 16 : i32
    %mul3A_0 = arith.muli %arg0, %mul3A : i32
    %add3A = arith.addi %mul3A_0, %arg1 : i32
    %mul3A_1 = arith.constant 98 : i32
    %mul3A_2 = arith.muli %add3A, %mul3A_1 : i32
    %sub3A = arith.constant 21 : i32
    %sub3A_3 = arith.subi %add3A, %sub3A : i32
    %max3A = arith.constant 0 : i32
    %max3A_4 = arith.maxsi %sub3A_3, %max3A : i32
    %sub3A_5 = arith.subi %mul3A_2, %max3A_4 : i32
    %lt3A = arith.constant 21 : i32
    %lt3A_6 = arith.cmpi slt, %add3A, %lt3A : i32
    %jit3A = arith.constant 98 : i32
    %jit3A_7 = arith.constant 97 : i32
    %select_n3A = arith.select %lt3A_6, %jit3A, %jit3A_7 : i32
    %mul3A_8 = arith.constant 2048 : i32
    %mul3A_9 = arith.muli %sub3A_5, %mul3A_8 : i32
    %add3A_10 = arith.constant 0 : i32
    %add3A_11 = arith.addi %mul3A_9, %add3A_10 : i32
    %dma_start3A = arith.constant 0 : i32
    %dma_start3A_12 = arith.constant 0 : i32
    %dma_start3A_13 = tpu.memref_slice %arg6[%dma_start3A, %dma_start3A_12] : memref<2x8192xi32, #tpu.memory_space<vmem>> -> memref<2x2048xi32, #tpu.memory_space<vmem>>
    %dma_start3A_14 = arith.constant 0 : i32
    %dma_start3A_15 = tpu.memref_slice %arg2[%dma_start3A_14, %add3A_11] : memref<2x6400000xi32, #tpu.memory_space<hbm>> -> memref<2x2048xi32, #tpu.memory_space<hbm>>
    %dma_start3A_16 = arith.constant 0 : i32
    %dma_start3A_17 = arith.constant 0 : i32
    %dma_start3A_18 = tpu.memref_slice %arg6[%dma_start3A_16, %dma_start3A_17] : memref<2x8192xi32, #tpu.memory_space<vmem>> -> memref<2x2048xi32, #tpu.memory_space<vmem>>
    %dma_start3A_19 = arith.constant 0 : i32
    %dma_start3A_20 = tpu.memref_slice %arg2[%dma_start3A_19, %add3A_11] : memref<2x6400000xi32, #tpu.memory_space<hbm>> -> memref<2x2048xi32, #tpu.memory_space<hbm>>
    tpu.enqueue_dma source(%dma_start3A_20 : memref<2x2048xi32, #tpu.memory_space<hbm>>) target(%dma_start3A_18 : memref<2x2048xi32, #tpu.memory_space<vmem>>) target_semaphore(%arg8 : memref<!tpu.dma_semaphore, #tpu.memory_space<semaphore_mem>>)
    %add3A_21 = arith.constant 2048 : i32
    %add3A_22 = arith.addi %mul3A_9, %add3A_21 : i32
    %dma_start3A_23 = arith.constant 0 : i32
    %dma_start3A_24 = arith.constant 2048 : i32
    %dma_start3A_25 = tpu.memref_slice %arg6[%dma_start3A_23, %dma_start3A_24] : memref<2x8192xi32, #tpu.memory_space<vmem>> -> memref<2x2048xi32, #tpu.memory_space<vmem>>
    %dma_start3A_26 = arith.constant 0 : i32
    %dma_start3A_27 = tpu.memref_slice %arg2[%dma_start3A_26, %add3A_22] : memref<2x6400000xi32, #tpu.memory_space<hbm>> -> memref<2x2048xi32, #tpu.memory_space<hbm>>
    %dma_start3A_28 = arith.constant 0 : i32
    %dma_start3A_29 = arith.constant 2048 : i32
    %dma_start3A_30 = tpu.memref_slice %arg6[%dma_start3A_28, %dma_start3A_29] : memref<2x8192xi32, #tpu.memory_space<vmem>> -> memref<2x2048xi32, #tpu.memory_space<vmem>>
    %dma_start3A_31 = arith.constant 0 : i32
    %dma_start3A_32 = tpu.memref_slice %arg2[%dma_start3A_31, %add3A_22] : memref<2x6400000xi32, #tpu.memory_space<hbm>> -> memref<2x2048xi32, #tpu.memory_space<hbm>>
    tpu.enqueue_dma source(%dma_start3A_32 : memref<2x2048xi32, #tpu.memory_space<hbm>>) target(%dma_start3A_30 : memref<2x2048xi32, #tpu.memory_space<vmem>>) target_semaphore(%arg8 : memref<!tpu.dma_semaphore, #tpu.memory_space<semaphore_mem>>)
    %add3A_33 = arith.constant 4096 : i32
    %add3A_34 = arith.addi %mul3A_9, %add3A_33 : i32
    %dma_start3A_35 = arith.constant 0 : i32
    %dma_start3A_36 = arith.constant 4096 : i32
    %dma_start3A_37 = tpu.memref_slice %arg6[%dma_start3A_35, %dma_start3A_36] : memref<2x8192xi32, #tpu.memory_space<vmem>> -> memref<2x2048xi32, #tpu.memory_space<vmem>>
    %dma_start3A_38 = arith.constant 0 : i32
    %dma_start3A_39 = tpu.memref_slice %arg2[%dma_start3A_38, %add3A_34] : memref<2x6400000xi32, #tpu.memory_space<hbm>> -> memref<2x2048xi32, #tpu.memory_space<hbm>>
    %dma_start3A_40 = arith.constant 0 : i32
    %dma_start3A_41 = arith.constant 4096 : i32
    %dma_start3A_42 = tpu.memref_slice %arg6[%dma_start3A_40, %dma_start3A_41] : memref<2x8192xi32, #tpu.memory_space<vmem>> -> memref<2x2048xi32, #tpu.memory_space<vmem>>
    %dma_start3A_43 = arith.constant 0 : i32
    %dma_start3A_44 = tpu.memref_slice %arg2[%dma_start3A_43, %add3A_34] : memref<2x6400000xi32, #tpu.memory_space<hbm>> -> memref<2x2048xi32, #tpu.memory_space<hbm>>
    tpu.enqueue_dma source(%dma_start3A_44 : memref<2x2048xi32, #tpu.memory_space<hbm>>) target(%dma_start3A_42 : memref<2x2048xi32, #tpu.memory_space<vmem>>) target_semaphore(%arg8 : memref<!tpu.dma_semaphore, #tpu.memory_space<semaphore_mem>>)
    %add3A_45 = arith.constant 6144 : i32
    %add3A_46 = arith.addi %mul3A_9, %add3A_45 : i32
    %dma_start3A_47 = arith.constant 0 : i32
    %dma_start3A_48 = arith.constant 6144 : i32
    %dma_start3A_49 = tpu.memref_slice %arg6[%dma_start3A_47, %dma_start3A_48] : memref<2x8192xi32, #tpu.memory_space<vmem>> -> memref<2x2048xi32, #tpu.memory_space<vmem>>
    %dma_start3A_50 = arith.constant 0 : i32
    %dma_start3A_51 = tpu.memref_slice %arg2[%dma_start3A_50, %add3A_46] : memref<2x6400000xi32, #tpu.memory_space<hbm>> -> memref<2x2048xi32, #tpu.memory_space<hbm>>
    %dma_start3A_52 = arith.constant 0 : i32
    %dma_start3A_53 = arith.constant 6144 : i32
    %dma_start3A_54 = tpu.memref_slice %arg6[%dma_start3A_52, %dma_start3A_53] : memref<2x8192xi32, #tpu.memory_space<vmem>> -> memref<2x2048xi32, #tpu.memory_space<vmem>>
    %dma_start3A_55 = arith.constant 0 : i32
    %dma_start3A_56 = tpu.memref_slice %arg2[%dma_start3A_55, %add3A_46] : memref<2x6400000xi32, #tpu.memory_space<hbm>> -> memref<2x2048xi32, #tpu.memory_space<hbm>>
    tpu.enqueue_dma source(%dma_start3A_56 : memref<2x2048xi32, #tpu.memory_space<hbm>>) target(%dma_start3A_54 : memref<2x2048xi32, #tpu.memory_space<vmem>>) target_semaphore(%arg8 : memref<!tpu.dma_semaphore, #tpu.memory_space<semaphore_mem>>)
    "tpu.region"() ({
      %run_scoped3A = tpu.sem_alloc : memref<!tpu.dma_semaphore, #tpu.memory_space<semaphore_mem>>
      tpu.enqueue_dma source(%arg3 : memref<102400xf32, #tpu.memory_space<hbm>>) target(%arg5 : memref<102400xf32, #tpu.memory_space<vmem>>) target_semaphore(%run_scoped3A : memref<!tpu.dma_semaphore, #tpu.memory_space<semaphore_mem>>)
      tpu.wait_dma2 semaphore(%run_scoped3A : memref<!tpu.dma_semaphore, #tpu.memory_space<semaphore_mem>>) src(%arg3 : memref<102400xf32, #tpu.memory_space<hbm>>) dst(%arg5 : memref<102400xf32, #tpu.memory_space<vmem>>)
      tpu.yield
    }) : () -> ()
    %while3A = arith.constant 0 : i32
    %while3A_57 = arith.constant 0 : i32
    %while3A_58 = arith.subi %select_n3A, %while3A_57 : i32
    %while3A_59 = arith.addi %while3A_57, %while3A_58 : i32
    %while3A_60 = arith.constant 1 : i32
    %while3A_61 = arith.divsi %while3A_58, %while3A_60 : i32
    %while3A_62 = arith.muli %while3A_61, %while3A_60 : i32
    %while3A_63 = arith.addi %while3A_57, %while3A_62 : i32
    %while3A_64 = arith.constant 1 : i32
    scf.for %while3A_94 = %while3A_57 to %while3A_63 step %while3A_64  : i32 {
      %rem3A = arith.constant 4 : i32
      %rem3A_95 = arith.remsi %while3A_94, %rem3A : i32
      %mul3A_96 = arith.constant 2048 : i32
      %mul3A_97 = arith.muli %rem3A_95, %mul3A_96 : i32
      %mul3A_98 = arith.constant 2048 : i32
      %mul3A_99 = arith.muli %while3A_94, %mul3A_98 : i32
      %add3A_100 = arith.addi %mul3A_9, %mul3A_99 : i32
      %dma_wait3A_101 = arith.constant 0 : i32
      %dma_wait3A_102 = tpu.memref_slice %arg6[%dma_wait3A_101, %mul3A_97] : memref<2x8192xi32, #tpu.memory_space<vmem>> -> memref<2x2048xi32, #tpu.memory_space<vmem>>
      %dma_wait3A_103 = arith.constant 0 : i32
      %dma_wait3A_104 = tpu.memref_slice %arg2[%dma_wait3A_103, %add3A_100] : memref<2x6400000xi32, #tpu.memory_space<hbm>> -> memref<2x2048xi32, #tpu.memory_space<hbm>>
      %dma_wait3A_105 = arith.constant 0 : i32
      %dma_wait3A_106 = tpu.memref_slice %arg6[%dma_wait3A_105, %mul3A_97] : memref<2x8192xi32, #tpu.memory_space<vmem>> -> memref<2x2048xi32, #tpu.memory_space<vmem>>
      %dma_wait3A_107 = arith.constant 0 : i32
      %dma_wait3A_108 = tpu.memref_slice %arg2[%dma_wait3A_107, %add3A_100] : memref<2x6400000xi32, #tpu.memory_space<hbm>> -> memref<2x2048xi32, #tpu.memory_space<hbm>>
      tpu.wait_dma2 semaphore(%arg8 : memref<!tpu.dma_semaphore, #tpu.memory_space<semaphore_mem>>) src(%dma_wait3A_108 : memref<2x2048xi32, #tpu.memory_space<hbm>>) dst(%dma_wait3A_106 : memref<2x2048xi32, #tpu.memory_space<vmem>>)
      %ge3A = arith.constant 4 : i32
      %ge3A_109 = arith.cmpi sge, %while3A_94, %ge3A : i32
      %convert_element_type3A = arith.extui %ge3A_109 : i1 to i32
      %cond3A = arith.constant 0 : i32
      %cond3A_110 = arith.cmpi ne, %convert_element_type3A, %cond3A : i32
      scf.if %cond3A_110 {
        %dma_wait3A_123 = tpu.memref_slice %arg7[%mul3A_97] : memref<8192xf32, #tpu.memory_space<vmem>> -> memref<2048xf32, #tpu.memory_space<vmem>>
        %dma_wait3A_124 = tpu.memref_slice %arg4[%add3A_100] : memref<6400000xf32, #tpu.memory_space<hbm>> -> memref<2048xf32, #tpu.memory_space<hbm>>
        %dma_wait3A_125 = tpu.memref_slice %arg4[%add3A_100] : memref<6400000xf32, #tpu.memory_space<hbm>> -> memref<2048xf32, #tpu.memory_space<hbm>>
        %dma_wait3A_126 = tpu.memref_slice %arg7[%mul3A_97] : memref<8192xf32, #tpu.memory_space<vmem>> -> memref<2048xf32, #tpu.memory_space<vmem>>
        tpu.wait_dma2 semaphore(%arg9 : memref<!tpu.dma_semaphore, #tpu.memory_space<semaphore_mem>>) src(%dma_wait3A_126 : memref<2048xf32, #tpu.memory_space<vmem>>) dst(%dma_wait3A_125 : memref<2048xf32, #tpu.memory_space<hbm>>)
      } else {
      }
      %parallel_loop3A = arith.constant 0 : i32
      %parallel_loop3A_111 = arith.constant 2048 : i32
      %parallel_loop3A_112 = arith.constant 16 : i32
      scf.for %parallel_loop3A_123 = %parallel_loop3A to %parallel_loop3A_111 step %parallel_loop3A_112  : i32 {
        %parallel_loop3A_124 = arith.addi %mul3A_97, %parallel_loop3A_123 : i32
        %parallel_loop3A_125 = arith.constant 0 : i32
        %parallel_loop3A_126 = arith.index_cast %parallel_loop3A_125 : i32 to index
        %parallel_loop3A_127 = arith.index_cast %parallel_loop3A_124 : i32 to index
        %parallel_loop3A_128 = tpu.vector_load %arg6[%parallel_loop3A_126, %parallel_loop3A_127] {strides = array<i32>} : memref<2x8192xi32, #tpu.memory_space<vmem>>, vector<16xi32>,
        %parallel_loop3A_129 = arith.constant 1 : i32
        %parallel_loop3A_130 = arith.index_cast %parallel_loop3A_129 : i32 to index
        %parallel_loop3A_131 = arith.index_cast %parallel_loop3A_124 : i32 to index
        %parallel_loop3A_132 = tpu.vector_load %arg6[%parallel_loop3A_130, %parallel_loop3A_131] {strides = array<i32>} : memref<2x8192xi32, #tpu.memory_space<vmem>>, vector<16xi32>,
        %parallel_loop3A_133 = tpu.vector_load_idx %arg5[%parallel_loop3A_128] : memref<102400xf32, #tpu.memory_space<vmem>>[vector<16xi32>], vector<16xf32>,
        %parallel_loop3A_134 = tpu.vector_load_idx %arg5[%parallel_loop3A_132] : memref<102400xf32, #tpu.memory_space<vmem>>[vector<16xi32>], vector<16xf32>,
        %parallel_loop3A_135 = arith.mulf %parallel_loop3A_133, %parallel_loop3A_134 : vector<16xf32>
        %parallel_loop3A_136 = arith.index_cast %parallel_loop3A_124 : i32 to index
        %parallel_loop3A_137 = tpu.vector_load %arg7[%parallel_loop3A_136] {strides = array<i32>} : memref<8192xf32, #tpu.memory_space<vmem>>, vector<16xf32>,
        tpu.vector_store %arg7[%parallel_loop3A_136], %parallel_loop3A_135 {strides = array<i32>} : memref<8192xf32, #tpu.memory_space<vmem>>, vector<16xf32>,
      } {sc.loop_unroll_factor = 16 : i64, sc.parallel_access}
      %dma_start3A_113 = tpu.memref_slice %arg7[%mul3A_97] : memref<8192xf32, #tpu.memory_space<vmem>> -> memref<2048xf32, #tpu.memory_space<vmem>>
      %dma_start3A_114 = tpu.memref_slice %arg4[%add3A_100] : memref<6400000xf32, #tpu.memory_space<hbm>> -> memref<2048xf32, #tpu.memory_space<hbm>>
      %dma_start3A_115 = tpu.memref_slice %arg4[%add3A_100] : memref<6400000xf32, #tpu.memory_space<hbm>> -> memref<2048xf32, #tpu.memory_space<hbm>>
      %dma_start3A_116 = tpu.memref_slice %arg7[%mul3A_97] : memref<8192xf32, #tpu.memory_space<vmem>> -> memref<2048xf32, #tpu.memory_space<vmem>>
      tpu.enqueue_dma source(%dma_start3A_116 : memref<2048xf32, #tpu.memory_space<vmem>>) target(%dma_start3A_115 : memref<2048xf32, #tpu.memory_space<hbm>>) target_semaphore(%arg9 : memref<!tpu.dma_semaphore, #tpu.memory_space<semaphore_mem>>)
      %add3A_117 = arith.constant 4 : i32
      %add3A_118 = arith.addi %while3A_94, %add3A_117 : i32
      %lt3A_119 = arith.cmpi slt, %add3A_118, %select_n3A : i32
      %convert_element_type3A_120 = arith.extui %lt3A_119 : i1 to i32
      %cond3A_121 = arith.constant 0 : i32
      %cond3A_122 = arith.cmpi ne, %convert_element_type3A_120, %cond3A_121 : i32
      scf.if %cond3A_122 {
        %add3A_123 = arith.constant 8192 : i32
        %add3A_124 = arith.addi %add3A_100, %add3A_123 : i32
        %dma_start3A_125 = arith.constant 0 : i32
        %dma_start3A_126 = tpu.memref_slice %arg6[%dma_start3A_125, %mul3A_97] : memref<2x8192xi32, #tpu.memory_space<vmem>> -> memref<2x2048xi32, #tpu.memory_space<vmem>>
        %dma_start3A_127 = arith.constant 0 : i32
        %dma_start3A_128 = tpu.memref_slice %arg2[%dma_start3A_127, %add3A_124] : memref<2x6400000xi32, #tpu.memory_space<hbm>> -> memref<2x2048xi32, #tpu.memory_space<hbm>>
        %dma_start3A_129 = arith.constant 0 : i32
        %dma_start3A_130 = tpu.memref_slice %arg6[%dma_start3A_129, %mul3A_97] : memref<2x8192xi32, #tpu.memory_space<vmem>> -> memref<2x2048xi32, #tpu.memory_space<vmem>>
        %dma_start3A_131 = arith.constant 0 : i32
        %dma_start3A_132 = tpu.memref_slice %arg2[%dma_start3A_131, %add3A_124] : memref<2x6400000xi32, #tpu.memory_space<hbm>> -> memref<2x2048xi32, #tpu.memory_space<hbm>>
        tpu.enqueue_dma source(%dma_start3A_132 : memref<2x2048xi32, #tpu.memory_space<hbm>>) target(%dma_start3A_130 : memref<2x2048xi32, #tpu.memory_space<vmem>>) target_semaphore(%arg8 : memref<!tpu.dma_semaphore, #tpu.memory_space<semaphore_mem>>)
      } else {
      }
    }
    %while3A_65 = arith.constant 1 : i32
    scf.for %while3A_94 = %while3A_63 to %while3A_59 step %while3A_65  : i32 {
      %rem3A = arith.constant 4 : i32
      %rem3A_95 = arith.remsi %while3A_94, %rem3A : i32
      %mul3A_96 = arith.constant 2048 : i32
      %mul3A_97 = arith.muli %rem3A_95, %mul3A_96 : i32
      %mul3A_98 = arith.constant 2048 : i32
      %mul3A_99 = arith.muli %while3A_94, %mul3A_98 : i32
      %add3A_100 = arith.addi %mul3A_9, %mul3A_99 : i32
      %dma_wait3A_101 = arith.constant 0 : i32
      %dma_wait3A_102 = tpu.memref_slice %arg6[%dma_wait3A_101, %mul3A_97] : memref<2x8192xi32, #tpu.memory_space<vmem>> -> memref<2x2048xi32, #tpu.memory_space<vmem>>
      %dma_wait3A_103 = arith.constant 0 : i32
      %dma_wait3A_104 = tpu.memref_slice %arg2[%dma_wait3A_103, %add3A_100] : memref<2x6400000xi32, #tpu.memory_space<hbm>> -> memref<2x2048xi32, #tpu.memory_space<hbm>>
      %dma_wait3A_105 = arith.constant 0 : i32
      %dma_wait3A_106 = tpu.memref_slice %arg6[%dma_wait3A_105, %mul3A_97] : memref<2x8192xi32, #tpu.memory_space<vmem>> -> memref<2x2048xi32, #tpu.memory_space<vmem>>
      %dma_wait3A_107 = arith.constant 0 : i32
      %dma_wait3A_108 = tpu.memref_slice %arg2[%dma_wait3A_107, %add3A_100] : memref<2x6400000xi32, #tpu.memory_space<hbm>> -> memref<2x2048xi32, #tpu.memory_space<hbm>>
      tpu.wait_dma2 semaphore(%arg8 : memref<!tpu.dma_semaphore, #tpu.memory_space<semaphore_mem>>) src(%dma_wait3A_108 : memref<2x2048xi32, #tpu.memory_space<hbm>>) dst(%dma_wait3A_106 : memref<2x2048xi32, #tpu.memory_space<vmem>>)
      %ge3A = arith.constant 4 : i32
      %ge3A_109 = arith.cmpi sge, %while3A_94, %ge3A : i32
      %convert_element_type3A = arith.extui %ge3A_109 : i1 to i32
      %cond3A = arith.constant 0 : i32
      %cond3A_110 = arith.cmpi ne, %convert_element_type3A, %cond3A : i32
      scf.if %cond3A_110 {
        %dma_wait3A_123 = tpu.memref_slice %arg7[%mul3A_97] : memref<8192xf32, #tpu.memory_space<vmem>> -> memref<2048xf32, #tpu.memory_space<vmem>>
        %dma_wait3A_124 = tpu.memref_slice %arg4[%add3A_100] : memref<6400000xf32, #tpu.memory_space<hbm>> -> memref<2048xf32, #tpu.memory_space<hbm>>
        %dma_wait3A_125 = tpu.memref_slice %arg4[%add3A_100] : memref<6400000xf32, #tpu.memory_space<hbm>> -> memref<2048xf32, #tpu.memory_space<hbm>>
        %dma_wait3A_126 = tpu.memref_slice %arg7[%mul3A_97] : memref<8192xf32, #tpu.memory_space<vmem>> -> memref<2048xf32, #tpu.memory_space<vmem>>
        tpu.wait_dma2 semaphore(%arg9 : memref<!tpu.dma_semaphore, #tpu.memory_space<semaphore_mem>>) src(%dma_wait3A_126 : memref<2048xf32, #tpu.memory_space<vmem>>) dst(%dma_wait3A_125 : memref<2048xf32, #tpu.memory_space<hbm>>)
      } else {
      }
      %parallel_loop3A = arith.constant 0 : i32
      %parallel_loop3A_111 = arith.constant 2048 : i32
      %parallel_loop3A_112 = arith.constant 16 : i32
      scf.for %parallel_loop3A_123 = %parallel_loop3A to %parallel_loop3A_111 step %parallel_loop3A_112  : i32 {
        %parallel_loop3A_124 = arith.addi %mul3A_97, %parallel_loop3A_123 : i32
        %parallel_loop3A_125 = arith.constant 0 : i32
        %parallel_loop3A_126 = arith.index_cast %parallel_loop3A_125 : i32 to index
        %parallel_loop3A_127 = arith.index_cast %parallel_loop3A_124 : i32 to index
        %parallel_loop3A_128 = tpu.vector_load %arg6[%parallel_loop3A_126, %parallel_loop3A_127] {strides = array<i32>} : memref<2x8192xi32, #tpu.memory_space<vmem>>, vector<16xi32>,
        %parallel_loop3A_129 = arith.constant 1 : i32
        %parallel_loop3A_130 = arith.index_cast %parallel_loop3A_129 : i32 to index
        %parallel_loop3A_131 = arith.index_cast %parallel_loop3A_124 : i32 to index
        %parallel_loop3A_132 = tpu.vector_load %arg6[%parallel_loop3A_130, %parallel_loop3A_131] {strides = array<i32>} : memref<2x8192xi32, #tpu.memory_space<vmem>>, vector<16xi32>,
        %parallel_loop3A_133 = tpu.vector_load_idx %arg5[%parallel_loop3A_128] : memref<102400xf32, #tpu.memory_space<vmem>>[vector<16xi32>], vector<16xf32>,
        %parallel_loop3A_134 = tpu.vector_load_idx %arg5[%parallel_loop3A_132] : memref<102400xf32, #tpu.memory_space<vmem>>[vector<16xi32>], vector<16xf32>,
        %parallel_loop3A_135 = arith.mulf %parallel_loop3A_133, %parallel_loop3A_134 : vector<16xf32>
        %parallel_loop3A_136 = arith.index_cast %parallel_loop3A_124 : i32 to index
        %parallel_loop3A_137 = tpu.vector_load %arg7[%parallel_loop3A_136] {strides = array<i32>} : memref<8192xf32, #tpu.memory_space<vmem>>, vector<16xf32>,
        tpu.vector_store %arg7[%parallel_loop3A_136], %parallel_loop3A_135 {strides = array<i32>} : memref<8192xf32, #tpu.memory_space<vmem>>, vector<16xf32>,
      } {sc.loop_unroll_factor = 16 : i64, sc.parallel_access}
      %dma_start3A_113 = tpu.memref_slice %arg7[%mul3A_97] : memref<8192xf32, #tpu.memory_space<vmem>> -> memref<2048xf32, #tpu.memory_space<vmem>>
      %dma_start3A_114 = tpu.memref_slice %arg4[%add3A_100] : memref<6400000xf32, #tpu.memory_space<hbm>> -> memref<2048xf32, #tpu.memory_space<hbm>>
      %dma_start3A_115 = tpu.memref_slice %arg4[%add3A_100] : memref<6400000xf32, #tpu.memory_space<hbm>> -> memref<2048xf32, #tpu.memory_space<hbm>>
      %dma_start3A_116 = tpu.memref_slice %arg7[%mul3A_97] : memref<8192xf32, #tpu.memory_space<vmem>> -> memref<2048xf32, #tpu.memory_space<vmem>>
      tpu.enqueue_dma source(%dma_start3A_116 : memref<2048xf32, #tpu.memory_space<vmem>>) target(%dma_start3A_115 : memref<2048xf32, #tpu.memory_space<hbm>>) target_semaphore(%arg9 : memref<!tpu.dma_semaphore, #tpu.memory_space<semaphore_mem>>)
      %add3A_117 = arith.constant 4 : i32
      %add3A_118 = arith.addi %while3A_94, %add3A_117 : i32
      %lt3A_119 = arith.cmpi slt, %add3A_118, %select_n3A : i32
      %convert_element_type3A_120 = arith.extui %lt3A_119 : i1 to i32
      %cond3A_121 = arith.constant 0 : i32
      %cond3A_122 = arith.cmpi ne, %convert_element_type3A_120, %cond3A_121 : i32
      scf.if %cond3A_122 {
        %add3A_123 = arith.constant 8192 : i32
        %add3A_124 = arith.addi %add3A_100, %add3A_123 : i32
        %dma_start3A_125 = arith.constant 0 : i32
        %dma_start3A_126 = tpu.memref_slice %arg6[%dma_start3A_125, %mul3A_97] : memref<2x8192xi32, #tpu.memory_space<vmem>> -> memref<2x2048xi32, #tpu.memory_space<vmem>>
        %dma_start3A_127 = arith.constant 0 : i32
        %dma_start3A_128 = tpu.memref_slice %arg2[%dma_start3A_127, %add3A_124] : memref<2x6400000xi32, #tpu.memory_space<hbm>> -> memref<2x2048xi32, #tpu.memory_space<hbm>>
        %dma_start3A_129 = arith.constant 0 : i32
        %dma_start3A_130 = tpu.memref_slice %arg6[%dma_start3A_129, %mul3A_97] : memref<2x8192xi32, #tpu.memory_space<vmem>> -> memref<2x2048xi32, #tpu.memory_space<vmem>>
        %dma_start3A_131 = arith.constant 0 : i32
        %dma_start3A_132 = tpu.memref_slice %arg2[%dma_start3A_131, %add3A_124] : memref<2x6400000xi32, #tpu.memory_space<hbm>> -> memref<2x2048xi32, #tpu.memory_space<hbm>>
        tpu.enqueue_dma source(%dma_start3A_132 : memref<2x2048xi32, #tpu.memory_space<hbm>>) target(%dma_start3A_130 : memref<2x2048xi32, #tpu.memory_space<vmem>>) target_semaphore(%arg8 : memref<!tpu.dma_semaphore, #tpu.memory_space<semaphore_mem>>)
      } else {
      }
    }
    %sub3A_66 = arith.constant 1 : i32
    %sub3A_67 = arith.subi %select_n3A, %sub3A_66 : i32
    %mul3A_68 = arith.constant 2048 : i32
    %mul3A_69 = arith.muli %sub3A_67, %mul3A_68 : i32
    %add3A_70 = arith.addi %mul3A_9, %mul3A_69 : i32
    %dma_wait3A = arith.constant 0 : i32
    %dma_wait3A_71 = tpu.memref_slice %arg7[%dma_wait3A] : memref<8192xf32, #tpu.memory_space<vmem>> -> memref<2048xf32, #tpu.memory_space<vmem>>
    %dma_wait3A_72 = tpu.memref_slice %arg4[%add3A_70] : memref<6400000xf32, #tpu.memory_space<hbm>> -> memref<2048xf32, #tpu.memory_space<hbm>>
    %dma_wait3A_73 = tpu.memref_slice %arg4[%add3A_70] : memref<6400000xf32, #tpu.memory_space<hbm>> -> memref<2048xf32, #tpu.memory_space<hbm>>
    %dma_wait3A_74 = arith.constant 0 : i32
    %dma_wait3A_75 = tpu.memref_slice %arg7[%dma_wait3A_74] : memref<8192xf32, #tpu.memory_space<vmem>> -> memref<2048xf32, #tpu.memory_space<vmem>>
    tpu.wait_dma2 semaphore(%arg9 : memref<!tpu.dma_semaphore, #tpu.memory_space<semaphore_mem>>) src(%dma_wait3A_75 : memref<2048xf32, #tpu.memory_space<vmem>>) dst(%dma_wait3A_73 : memref<2048xf32, #tpu.memory_space<hbm>>)
    %dma_wait3A_76 = arith.constant 0 : i32
    %dma_wait3A_77 = tpu.memref_slice %arg7[%dma_wait3A_76] : memref<8192xf32, #tpu.memory_space<vmem>> -> memref<2048xf32, #tpu.memory_space<vmem>>
    %dma_wait3A_78 = tpu.memref_slice %arg4[%add3A_70] : memref<6400000xf32, #tpu.memory_space<hbm>> -> memref<2048xf32, #tpu.memory_space<hbm>>
    %dma_wait3A_79 = tpu.memref_slice %arg4[%add3A_70] : memref<6400000xf32, #tpu.memory_space<hbm>> -> memref<2048xf32, #tpu.memory_space<hbm>>
    %dma_wait3A_80 = arith.constant 0 : i32
    %dma_wait3A_81 = tpu.memref_slice %arg7[%dma_wait3A_80] : memref<8192xf32, #tpu.memory_space<vmem>> -> memref<2048xf32, #tpu.memory_space<vmem>>
    tpu.wait_dma2 semaphore(%arg9 : memref<!tpu.dma_semaphore, #tpu.memory_space<semaphore_mem>>) src(%dma_wait3A_81 : memref<2048xf32, #tpu.memory_space<vmem>>) dst(%dma_wait3A_79 : memref<2048xf32, #tpu.memory_space<hbm>>)
    %dma_wait3A_82 = arith.constant 0 : i32
    %dma_wait3A_83 = tpu.memref_slice %arg7[%dma_wait3A_82] : memref<8192xf32, #tpu.memory_space<vmem>> -> memref<2048xf32, #tpu.memory_space<vmem>>
    %dma_wait3A_84 = tpu.memref_slice %arg4[%add3A_70] : memref<6400000xf32, #tpu.memory_space<hbm>> -> memref<2048xf32, #tpu.memory_space<hbm>>
    %dma_wait3A_85 = tpu.memref_slice %arg4[%add3A_70] : memref<6400000xf32, #tpu.memory_space<hbm>> -> memref<2048xf32, #tpu.memory_space<hbm>>
    %dma_wait3A_86 = arith.constant 0 : i32
    %dma_wait3A_87 = tpu.memref_slice %arg7[%dma_wait3A_86] : memref<8192xf32, #tpu.memory_space<vmem>> -> memref<2048xf32, #tpu.memory_space<vmem>>
    tpu.wait_dma2 semaphore(%arg9 : memref<!tpu.dma_semaphore, #tpu.memory_space<semaphore_mem>>) src(%dma_wait3A_87 : memref<2048xf32, #tpu.memory_space<vmem>>) dst(%dma_wait3A_85 : memref<2048xf32, #tpu.memory_space<hbm>>)
    %dma_wait3A_88 = arith.constant 0 : i32
    %dma_wait3A_89 = tpu.memref_slice %arg7[%dma_wait3A_88] : memref<8192xf32, #tpu.memory_space<vmem>> -> memref<2048xf32, #tpu.memory_space<vmem>>
    %dma_wait3A_90 = tpu.memref_slice %arg4[%add3A_70] : memref<6400000xf32, #tpu.memory_space<hbm>> -> memref<2048xf32, #tpu.memory_space<hbm>>
    %dma_wait3A_91 = tpu.memref_slice %arg4[%add3A_70] : memref<6400000xf32, #tpu.memory_space<hbm>> -> memref<2048xf32, #tpu.memory_space<hbm>>
    %dma_wait3A_92 = arith.constant 0 : i32
    %dma_wait3A_93 = tpu.memref_slice %arg7[%dma_wait3A_92] : memref<8192xf32, #tpu.memory_space<vmem>> -> memref<2048xf32, #tpu.memory_space<vmem>>
    tpu.wait_dma2 semaphore(%arg9 : memref<!tpu.dma_semaphore, #tpu.memory_space<semaphore_mem>>) src(%dma_wait3A_93 : memref<2048xf32, #tpu.memory_space<vmem>>) dst(%dma_wait3A_91 : memref<2048xf32, #tpu.memory_space<hbm>>)
    return
  }
}

module attributes {stable_mosaic.version = 14 : i64} {
  func.func @_reduce_body(%arg0: memref<32x800x128xf32, #tpu.memory_space<vmem>>, %arg1: memref<800x128xf32, #tpu.memory_space<vmem>>) attributes {dimension_semantics = [], scalar_prefetch = 0 : i64, scratch_operands = 0 : i64, tpu.core_type = #tpu.core_type<tc>} {
    %get3A = arith.constant 0 : index
    %get3A_0 = arith.constant 0 : index
    %get3A_1 = arith.constant 0 : index
    %get3A_2 = vector.load %arg0[%get3A, %get3A_0, %get3A_1] : memref<32x800x128xf32, #tpu.memory_space<vmem>>, vector<32x800x128xf32>
    %reduce_sum3A = arith.constant dense<0.000000e+00> : vector<800x128xf32>
    %reduce_sum3A_3 = vector.multi_reduction <add>, %get3A_2, %reduce_sum3A [0] : vector<32x800x128xf32> to vector<800x128xf32>
    %gt3A = arith.constant 0.000000e+00 : f32
    %gt3A_4 = vector.broadcast %gt3A : f32 to vector<800x128xf32>
    %gt3A_5 = arith.cmpf ogt, %reduce_sum3A_3, %gt3A_4 : vector<800x128xf32>
    %rsqrt3A = math.rsqrt %reduce_sum3A_3 : vector<800x128xf32>
    %jit3A = arith.constant 0.000000e+00 : f32
    %broadcast_in_dim3A = vector.broadcast %jit3A : f32 to vector<800x128xf32>
    %select_n3A = arith.select %gt3A_5, %rsqrt3A, %broadcast_in_dim3A : vector<800x128xi1>, vector<800x128xf32>
    %swap3A = arith.constant 0 : index
    %swap3A_6 = arith.constant 0 : index
    %swap3A_7 = vector.load %arg1[%swap3A, %swap3A_6] : memref<800x128xf32, #tpu.memory_space<vmem>>, vector<800x128xf32>
    tpu.vector_store %arg1[%swap3A, %swap3A_6], %select_n3A {strides = array<i32>} : memref<800x128xf32, #tpu.memory_space<vmem>>, vector<800x128xf32>,
    return
  }
}

</mosaic_0001>

<sc_bundles>
// kernel: kernel.5.cloned.1.call-start
scs
__scs_entry_jumppad:
0x0: {  	(pc) =	sbr.rel $0x88, $3  }
0x1: {  	(tag) =	ssettag $0x0;
	lr =	simm.s32 $0x1  }
0x2: {  	[smem:$0x3FA0] =	sst lr;
	_ =	strace $0xD0000000  }
0x3: {  	_ = 	snop  }
0x4: {  	_ = 	snop  }
0x5: {  	_ = 	snop  }
0x6: {  	_ = 	snop  }
0x7: {  	_ = 	snop  }
__scs_overlays_trampoline_lowered:
0x8: {  	[smem:$0x3FAF] =	sst s0  }
0x9: {  	[smem:$0x3FB0] =	sst s1  }
0xa: {  	[smem:$0x3FB1] =	sst s2  }
0xb: {  	[smem:$0x3FB2] =	sst s3  }
0xc: {  	[smem:$0x3FB3] =	sst s4  }
0xd: {  	[smem:$0x3FB4] =	sst s5  }
0xe: {  	[smem:$0x3FB5] =	sst s6  }
0xf: {  	[smem:$0x3FB6] =	sst s7  }
0x10: {  	[smem:$0x3FB7] =	sst s8  }
0x11: {  	[smem:$0x3FB8] =	sst s9;
	s0 =	simm.s32 @!p0 $0x0  }
0x12: {  	s1 =	sld [smem:$0x3F9E];
	s0 =	simm.s32 @p0 $0x1  }
0x13: {  	[smem:$0x3FB9] =	sst s0;
	s0 =	simm.s32 @!p1 $0x0  }
0x14: {  	s2 =	sld [smem:$0x3F9D];
	s0 =	simm.s32 @p1 $0x1  }
0x15: {  	[smem:$0x3FBA] =	sst s0;
	s0 =	simm.s32 @!p2 $0x0  }
0x16: {  	s3 =	sld [smem:$0x3FDB];
	s0 =	simm.s32 @p2 $0x1  }
0x17: {  	s4 =	simm.s32 $0x1BF5;
	[smem:$0x3FBC] =	sst s0  }
0x18: {  	s0 =	sld [smem:$0x3F9F];
	_ =	swait.ge [sflag:s4], $0x0  }
0x19: {  	s7 =	sld [smem:$0x3FA0]  }
0x1a: {  	s8 =	sadd.s32 $0xFFFFE003, lr  }
0x1b: {  	s9 =	sadd.s32 $0xFFFFFEF7, lr;
	s5 =	simm.s32 $0xFFFFFFFF;
	p2 =	slt.u32 s8, $0xFFFFF086  }
0x1c: {  	p1 =	slt.u32 s9, $0xF7A;
	s5 =	simm.s32 @!p2 $0x0  }
0x1d: {  	s5 =	simm.s32 @p1 $0x1;
	p0 =	seq.s32 s7, s2  }
0x1e: {  	s7 =	smul.u32 @!p0 $0xF7A, s2;
	p2 =	seq.s32 @!p0 s5, $0x0  }
0x1f: {  	s9 =	smul.u32 $0xF7A, s1;
	s8 =	simm.s32 @!p0 $0x1BF5;
	p2 =	por !p2, p0  }
0x20: {  	[sflag:s8] =	ssyncset.s32 @!p0 $0xFFFFF086;
	s6 =	sadd.s32 @!p0 s3, s7;
	s7 =	simm.s32 @!p0 $0x108  }
0x21: {  	s3 =	sadd.s32 s3, s9;
	s6 =	sadd.s32 @!p0 $0x88, s6;
	s7 =	simm.s32 @p2 $0x1082  }
0x22: {  	[simem:s7], [sflag:s8] =	dma.local @!p0 [hbm:s6], $0xF7A  }
0x23: {  	s9 =	sor.u32 $0xD0000000, s2;
	s6 =	simm.s32 $0x108;
	_ =	swait.ge @!p0 [sflag:s8], $0x0  }
0x24: {  	s3 =	sadd.s32 $0x88, s3;
	s6 =	simm.s32 @!p1 $0x1082;
	[sflag:s4] =	ssyncset.s32 $0xFFFFF086  }
0x25: {  	[simem:s6], [sflag:s4] =	dma.local [hbm:s3], $0xF7A  }
0x26: {  	[smem:$0x3FA0] =	sst s1;
	(tag) =	ssettag s2;
	_ =	strace s9  }
0x27: {  	s1 =	sld [smem:$0x3FB0]  }
0x28: {  	s2 =	sld [smem:$0x3FB1]  }
0x29: {  	s4 =	sld [smem:$0x3FB3]  }
0x2a: {  	p0 =	seq.s32 s5, $0x0;
	s5 =	sld [smem:$0x3FB4]  }
0x2b: {  	s6 =	sld [smem:$0x3FB5]  }
0x2c: {  	s7 =	sld [smem:$0x3FB6]  }
0x2d: {  	s3 =	simm.s32 $0x108;
	s8 =	sld [smem:$0x3FB7]  }
0x2e: {  	s3 =	simm.s32 @!p0 $0x1082;
	s9 =	sld [smem:$0x3FB8]  }
0x2f: {  	lr =	sadd.s32 s0, s3;
	s0 =	sld [smem:$0x3FAF]  }
0x30: {  	s3 =	sld [smem:$0x3FB2]  }
0x31: {  	[smem:$0x3FBB] =	sst s10  }
0x32: {  	s10 =	sld [smem:$0x3FB9];
	_ =	sdelay $0x3  }
0x33: {  	p0 =	seq.s32 s10, $0x1;
	s10 =	sld [smem:$0x3FBB];
	_ =	sdelay $0x3  }
0x34: {  	[smem:$0x3FBB] =	sst s10  }
0x35: {  	s10 =	sld [smem:$0x3FBA];
	_ =	sdelay $0x3  }
0x36: {  	p1 =	seq.s32 s10, $0x1;
	s10 =	sld [smem:$0x3FBB];
	_ =	sdelay $0x3  }
0x37: {  	[smem:$0x3FBB] =	sst s10  }
0x38: {  	s10 =	sld [smem:$0x3FBC]  }
0x39: {  	_ = 	snop;
	(pc) =	sbr.ind lr, $3  }
0x3a: {  	_ = 	snop  }
0x3b: {  	_ = 	snop  }
0x3c: {  	p2 =	seq.s32 s10, $0x1;
	s10 =	sld [smem:$0x3FBB]  }
0x3d: {  	_ =	shalt  }
0x3e: {  	_ =	shalt  }
0x3f: {  	_ =	shalt  }
0x40: {  	_ =	shalt  }
0x41: {  	_ =	shalt  }
0x42: {  	_ =	shalt  }
0x43: {  	_ =	shalt  }
0x44: {  	_ =	shalt  }
0x45: {  	_ =	shalt  }
0x46: {  	_ =	shalt  }
0x47: {  	_ =	shalt  }
0x48: {  	_ =	shalt  }
0x49: {  	_ =	shalt  }
0x4a: {  	_ =	shalt  }
0x4b: {  	_ =	shalt  }
0x4c: {  	_ =	shalt  }
0x4d: {  	_ =	shalt  }
0x4e: {  	_ =	shalt  }
0x4f: {  	_ =	shalt  }
0x50: {  	_ =	shalt  }
0x51: {  	_ =	shalt  }
0x52: {  	_ =	shalt  }
0x53: {  	_ =	shalt  }
0x54: {  	_ =	shalt  }
0x55: {  	_ =	shalt  }
0x56: {  	_ =	shalt  }
0x57: {  	_ =	shalt  }
0x58: {  	_ =	shalt  }
0x59: {  	_ =	shalt  }
0x5a: {  	_ =	shalt  }
0x5b: {  	_ =	shalt  }
0x5c: {  	_ =	shalt  }
0x5d: {  	_ =	shalt  }
0x5e: {  	_ =	shalt  }
0x5f: {  	_ =	shalt  }
0x60: {  	_ =	shalt  }
0x61: {  	_ =	shalt  }
0x62: {  	_ =	shalt  }
0x63: {  	_ =	shalt  }
0x64: {  	_ =	shalt  }
0x65: {  	_ =	shalt  }
0x66: {  	_ =	shalt  }
0x67: {  	_ =	shalt  }
0x68: {  	_ =	shalt  }
0x69: {  	_ =	shalt  }
0x6a: {  	_ =	shalt  }
0x6b: {  	_ =	shalt  }
0x6c: {  	_ =	shalt  }
0x6d: {  	_ =	shalt  }
0x6e: {  	_ =	shalt  }
0x6f: {  	_ =	shalt  }
0x70: {  	_ =	shalt  }
0x71: {  	_ =	shalt  }
0x72: {  	_ =	shalt  }
0x73: {  	_ =	shalt  }
0x74: {  	_ =	shalt  }
0x75: {  	_ =	shalt  }
0x76: {  	_ =	shalt  }
0x77: {  	_ =	shalt  }
0x78: {  	_ =	shalt  }
0x79: {  	_ =	shalt  }
0x7a: {  	_ =	shalt  }
0x7b: {  	_ =	shalt  }
0x7c: {  	_ =	shalt  }
0x7d: {  	_ =	shalt  }
0x7e: {  	_ =	shalt  }
0x7f: {  	_ =	shalt  }
0x80: {  	_ =	shalt  }
0x81: {  	_ =	shalt  }
0x82: {  	_ =	shalt  }
0x83: {  	_ =	shalt  }
0x84: {  	_ =	shalt  }
0x85: {  	_ =	shalt  }
0x86: {  	_ =	shalt  }
0x87: {  	_ =	shalt  }
.Lfunc_end0:
.L_simem_size_0:
called_computation_lowered:
.L_overlay_start_0:
0x88: {  	s2 =	sld [smem:$0x3FD9]  }
0x89: {  	s3 =	sld [smem:$0x3FFE];
	_ =	sdelay $0x1  }
0x8a: {  	s1 =	srdreg.scid  }
0x8b: {  	s0 =	sand.u32 $0x1, s1  }
0x8c: {  	s18 =	sshll.u32 s0, $0xA;
	s2 =	sadd.s32 s3, s2  }
0x8d: {  	s2 =	sadd.s32 s2, s18  }
0x8e: {  	[smem:$0x3FC7] =	sst s2  }
0x8f: {  	_ = 	snop  }
0x90: {  	s2 =	sld [smem:$0x3FC9]  }
0x91: {  	s19 =	sld [smem:$0x3FD0];
	(tm) =	ssettm $0x1  }
0x92: {  	s4 =	sld [smem:$0x3FFB];
	_ =	sdelay $0x3  }
0x93: {  	_ =	strace s4  }
0x94: {  	s4 =	sld [smem:$0x3FFC];
	_ =	sdelay $0x3  }
0x95: {  	_ =	strace s4  }
0x96: {  	s4 =	sld [smem:$0x3FFD];
	_ =	sdelay $0x3  }
0x97: {  	_ =	strace s4  }
0x98: {  	_ =	strace $0x8FFFFFFF  }
0x99: {  	s20 =	sld [smem:$0x3FDB];
	_ =	sdelay $0x1  }
0x9a: {  	s5 =	simm.s32 $_scs_section_size  }
0x9b: {  	s6 =	simm.s32 $_size__tile_overlayer_lowered;
	s7 =	simm.s32 $_tile_overlayer_lowered  }
0x9c: {  	s23 =	simm.s32 $0x1BFF;
	s22 =	sshll.u32 s7, $0x1;
	s4 =	sadd.s32 s5, s20  }
0x9d: {  	s8 =	simm.s32 $0x0;
	s21 =	sshll.u32 s6, $0x1;
	s6 =	sadd.s32 s22, s4  }
0x9e: {  	[timem:s8], [sflag:s23] =	dma.local [hbm:s6], s21  }
0x9f: {  	_ =	swait.ge [sflag:s23], s21  }
0xa0: {  	s5 =	ssub.s32 $0x0, s21;
	[sflag:s23] =	ssyncset.done $0x0  }
0xa1: {  	[sflag:s23] =	ssyncadd.s32 s5;
	_ =	sdelay $0x1  }
0xa2: {  	s24 =	simm.s32 $0x1B8B  }
0xa3: {  	_ =	swait.ge [sflag:s24], $0x1  }
0xa4: {  	[sflag:s24] =	ssyncset.done $0x0  }
0xa5: {  	s25 =	simm.s32 $0x1B8E;
	[sflag:s24] =	ssyncadd.s32 $0xFFFFFFFF  }
0xa6: {  	s26 =	simm.s32 $execute0_lowered;
	[smem:$0x3FD2] =	sst s25  }
0xa7: {  	s5 =	sshll.u32 s26, $0x1;
	_ =	strace $0x80000046;
	[dreg:$0x1] =	wrdreg $0xFFFFFFFF  }
0xa8: {  	s28 =	simm.s32 $_size_execute0_lowered;
	s4 =	sadd.s32 s4, s5;
	[dreg:$0x0] =	wrdreg $0x0  }
0xa9: {  	s5 =	sshll.u32 s28, $0x1;
	[dreg:$0x2] =	wrdreg s4  }
0xaa: {  	[dreg:$0x3] =	wrdreg s5  }
0xab: {  	[dreg:$0x4] =	wrdreg $0xC0  }
0xac: {  	_ =	task [dreg:s8], $0x5FFFF  }
0xad: {  	[dreg:$0x1] =	wrdreg $0xFFFFFFFF  }
0xae: {  	[dreg:$0x0] =	wrdreg $0x60  }
0xaf: {  	[dreg:$0x2] =	wrdreg s2  }
0xb0: {  	[dreg:$0x3] =	wrdreg s19  }
0xb1: {  	[dreg:$0x4] =	wrdreg $0x9  }
0xb2: {  	_ =	task.clear_ibuf [dreg:s8], $0x5FFFF;
	_ =	strace $0x90000046  }
0xb3: {  	s29 =	simm.s32 $0x9;
	_ =	strace $0x80000048  }
0xb4: {  	_ =	swait.ge [sflag:s29], $0x1  }
0xb5: {  	[sflag:s29] =	ssyncadd.s32 $0xFFFFFFFF  }
0xb6: {  	_ =	strace $0x90000048  }
0xb7: {  	_ =	sfence  }
0xb8: {  	s30 =	sld [smem:$0x0];
	_ =	sdelay $0x2  }
0xb9: {  	s31 =	sshll.u32 s1, $0xD;
	s1 =	sshrl.u32 s1, $0x2  }
0xba: {  	s3 =	sand.u32 $0x4000, s31;
	s1 =	sadd.s32 s1, s30  }
0xbb: {  	s0 =	sor.u32 s3, s0;
	s1 =	sshll.u32 s1, $0x11  }
0xbc: {  	s0 =	sor.u32 s1, s0  }
0xbd: {  	s0 =	sadd.s32 $0x8F2B, s0  }
0xbe: {  	[sflag:s0] =	ssyncadd.remote.s32 $0x1  }
0xbf: {  	_ =	sfence.sel $0xFFFF  }
0xc0: {  	[dreg:$0x0] =	wrdreg $0xFFFFFFFF;
	(pc) =	sbr.abs _section_cstart, $3  }
0xc1: {  	[dreg:$0x1] =	wrdreg $0xFFFFFFFF  }
0xc2: {  	_ =	task.clear_ibuf [dreg:s8], $0x2FFFF;
	_ =	strace $0x9FFFFFFF  }
0xc3: {  	(tm) =	ssettm $0x7FFFFFFF  }
tec
execute0_lowered:
.L_overlay_start_1:
0x0: {  	(tag) =	ssettag $0x1  }
0x1: {  	s0 =	srdreg.scid;
	s2 =	rddreg [dreg:$0x0]  }
0x2: {  	s10 =	rddreg [dreg:$0x1];
	s3 =	simm.s32 $0x0;
	s15 =	simm.s32 $0x1  }
0x3: {  	s16 =	simm.s32 $0x4000;
	s17 =	simm.s32 $0x2;
	s4 =	sand.u32 $0x1, s0  }
0x4: {  	s18 =	simm.s32 $0x0;
	s0 =	stileid.u32;
	s1 =	sshll.u32 s4, $0x4  }
0x5: {  	[smem:$0x7FF] =	sst s3;
	s8 =	ssub.s32 $0x2, s4;
	s7 =	sor.u32 s0, s1  }
0x6: {  	s1 =	rddreg [dreg:$0x2];
	s29 =	sshrl.u32 s8, $0x1;
	s5 =	smul.u32 $0x62, s7  }
0x7: {  	_ =	strace $0x80000047;
	s6 =	smax.u32 s7, $0x15;
	s11 =	ssub.s32 s8, s29  }
0x8: {  	p0 =	slt.u32 s7, $0x15;
	s14 =	smul.u32 $0x3200, s7;
	s28 =	ssub.s32 s5, s6  }
0x9: {  	s11 =	smax.u32 s11, $0x1;
	s5 =	simm.s32 $0x62;
	s4 =	sadd.s32 $0x15, s28  }
0xa: {  	s10 =	sadd.s32 s10, s14;
	s14 =	simm.s32 $0x3000;
	s30 =	sshll.u32 s4, $0x9  }
0xb: {  	s5 =	simm.s32 @!p0 $0x61;
	s31 =	sshll.u32 s4, $0xC;
	s6 =	sand.u32 $0x1FFFFE00, s30  }
0xc: {  	s9 =	sadd.s32 $0x1000, s31;
	s12 =	sadd.s32 $0x2000, s31;
	s8 =	sadd.s32 $0x3000, s31  }
0xd: {  	s6 =	sadd.s32 s2, s6;
	s9 =	sshrl.u32 s9, $0x3;
	s12 =	sshrl.u32 s12, $0x3  }
0xe: {  	s13 =	sshrl.u32 s8, $0x3;
	s7 =	sadd.s32 s2, s9;
	s8 =	sadd.s32 s2, s12  }
0xf: {  	v0 =	vimm.f32 $0.0e+00;
	v1 =	vimm.f32 $1.000000000e+00;
	s9 =	sadd.s32 s2, s13;
	s12 =	simm.s32 $0x1000;
	s13 =	simm.s32 $0x2000  }
.LBB2_1:
0x10: {  	[tilespmem:s3], [sflag:$0x1] =	stream.linear.gather [hbm4b:s6+s3], $0x1000, $0x38;
	[tilespmem:$0x1D000] =	vst v63  }
0x11: {  	_ = 	snop  }
0x12: {  	[tilespmem:s12], [sflag:$0x1] =	stream.linear.gather [hbm4b:s7+s3], $0x1000, $0x38;
	[tilespmem:$0x1D000] =	vst v63  }
0x13: {  	_ = 	snop  }
0x14: {  	[tilespmem:s13], [sflag:$0x1] =	stream.linear.gather [hbm4b:s8+s3], $0x1000, $0x38;
	[tilespmem:$0x1D000] =	vst v63  }
0x15: {  	s19 =	simm.s32 $0x4080  }
0x16: {  	[tilespmem:s14], [sflag:$0x1] =	stream.linear.gather [hbm4b:s9+s3], $0x1000, $0x38;
	[tilespmem:$0x1D000] =	vst v63  }
0x17: {  	[tilespmem:s19+$0xFFFFFF80] =	vst v0  }
0x18: {  	[tilespmem:s19+$0x70] =	vst v0  }
0x19: {  	[tilespmem:s19+$0x60] =	vst v0  }
0x1a: {  	[tilespmem:s19+$0x50] =	vst v0  }
0x1b: {  	[tilespmem:s19+$0x40] =	vst v0  }
0x1c: {  	[tilespmem:s19+$0x30] =	vst v0  }
0x1d: {  	[tilespmem:s19+$0x20] =	vst v0  }
0x1e: {  	[tilespmem:s19+$0x10] =	vst v0  }
0x1f: {  	[tilespmem:s19+$0x0] =	vst v0  }
0x20: {  	[tilespmem:s19+$0xFFFFFFF0] =	vst v0  }
0x21: {  	[tilespmem:s19+$0xFFFFFFE0] =	vst v0  }
0x22: {  	[tilespmem:s19+$0xFFFFFFD0] =	vst v0  }
0x23: {  	[tilespmem:s19+$0xFFFFFFC0] =	vst v0  }
0x24: {  	[tilespmem:s19+$0xFFFFFFB0] =	vst v0  }
0x25: {  	s20 =	simm.s32 $0x0;
	[tilespmem:s19+$0xFFFFFFA0] =	vst v0  }
.LBB2_2:
0x26: {  	s20 =	sadd.s32 $0x100, s20;
	[tilespmem:s19+$0xFFFFFF90] =	vst v0;
	s19 =	sadd.s32 $0x100, s19  }
0x27: {  	[tilespmem:s19+$0xFFFFFF80] =	vst v0;
	p0 =	slt.u32 s20, $0x18F00  }
0x28: {  	[tilespmem:s19+$0x70] =	vst v0  }
0x29: {  	[tilespmem:s19+$0x60] =	vst v0  }
0x2a: {  	[tilespmem:s19+$0x50] =	vst v0  }
0x2b: {  	[tilespmem:s19+$0x40] =	vst v0  }
0x2c: {  	[tilespmem:s19+$0x30] =	vst v0  }
0x2d: {  	[tilespmem:s19+$0x20] =	vst v0  }
0x2e: {  	[tilespmem:s19+$0x10] =	vst v0  }
0x2f: {  	[tilespmem:s19+$0x0] =	vst v0  }
0x30: {  	[tilespmem:s19+$0xFFFFFFF0] =	vst v0  }
.Ltmp0:
0x31: {  	[tilespmem:s19+$0xFFFFFFE0] =	vst v0;
	(pc) =	sbr.rel @p0 .LBB2_2-.Ltmp0, $4  }
0x32: {  	[tilespmem:s19+$0xFFFFFFD0] =	vst v0  }
0x33: {  	[tilespmem:s19+$0xFFFFFFC0] =	vst v0  }
0x34: {  	[tilespmem:s19+$0xFFFFFFB0] =	vst v0  }
0x35: {  	[tilespmem:s19+$0xFFFFFFA0] =	vst v0  }
0x36: {  	[tilespmem:s19+$0xFFFFFF90] =	vst v0;
	s19 =	simm.s32 $0x0;
	s20 =	simm.s32 $0x0  }
.LBB2_4:
0x37: {  	s21 =	sand.u32 $0x3, s19;
	_ =	swait.ge [sflag:s15], $0x1000  }
0x38: {  	s21 =	sshll.u32 s21, $0xC;
	[sflag:s15] =	ssyncset.done $0x0  }
0x39: {  	s21 =	sor.u32 $0x180, s21;
	[sflag:s15] =	ssyncadd.s32 $0xFFFFF000  }
0x3a: {  	v3 =	vld [tilespmem:s21+$0x30]  }
0x3b: {  	v4 =	vld [tilespmem:s21+$0x40]  }
0x3c: {  	v2 =	vld [tilespmem:s21+$0xFFFFFF00]  }
0x3d: {  	v5 =	vld [tilespmem:s21+$0x70]  }
0x3e: {  	v6 =	vld [tilespmem:s21+$0xFFFFFF50]  }
0x3f: {  	v7 =	vld [tilespmem:s21+$0xFFFFFF60]  }
0x40: {  	v8 =	vld [tilespmem:s21+$0xFFFFFF70]  }
0x41: {  	v9 =	vld [tilespmem:s21+$0x0]  }
0x42: {  	v10 =	vld [tilespmem:s21+$0x60]  }
0x43: {  	v11 =	vld [tilespmem:s21+$0x50]  }
0x44: {  	v62 =	vld [tilespmem:s21+$0xFFFFFF20]  }
0x45: {  	v12 =	vld [tilespmem:s21+$0x20]  }
0x46: {  	v13 =	vld [tilespmem:s21+$0x10]  }
0x47: {  	v63 =	vld [tilespmem:s21+$0xFFFFFF30]  }
0x48: {  	[tilespmem:v2+s16+$0x0] =	vst.idx.add.f32.msk $0xffff, v1  }
0x49: {  	[tilespmem:v5+s16+$0x0] =	vst.idx.add.f32.msk $0xffff, v1  }
0x4a: {  	v2 =	vld [tilespmem:s21+$0xFFFFFF10]  }
0x4b: {  	[tilespmem:v10+s16+$0x0] =	vst.idx.add.f32.msk $0xffff, v1  }
0x4c: {  	[tilespmem:v11+s16+$0x0] =	vst.idx.add.f32.msk $0xffff, v1  }
0x4d: {  	[tilespmem:v4+s16+$0x0] =	vst.idx.add.f32.msk $0xffff, v1  }
0x4e: {  	[tilespmem:v3+s16+$0x0] =	vst.idx.add.f32.msk $0xffff, v1  }
0x4f: {  	v3 =	vld [tilespmem:s21+$0xFFFFFF40]  }
0x50: {  	[tilespmem:v12+s16+$0x0] =	vst.idx.add.f32.msk $0xffff, v1  }
0x51: {  	[tilespmem:v13+s16+$0x0] =	vst.idx.add.f32.msk $0xffff, v1  }
0x52: {  	[tilespmem:v9+s16+$0x0] =	vst.idx.add.f32.msk $0xffff, v1  }
0x53: {  	[tilespmem:v8+s16+$0x0] =	vst.idx.add.f32.msk $0xffff, v1  }
0x54: {  	[tilespmem:v7+s16+$0x0] =	vst.idx.add.f32.msk $0xffff, v1  }
0x55: {  	[tilespmem:v6+s16+$0x0] =	vst.idx.add.f32.msk $0xffff, v1  }
0x56: {  	[tilespmem:v63+s16+$0x0] =	vst.idx.add.f32.msk $0xffff, v1  }
0x57: {  	[tilespmem:v62+s16+$0x0] =	vst.idx.add.f32.msk $0xffff, v1  }
0x58: {  	s22 =	sand.u32 $0x3, s20;
	s23 =	simm.s32 $0x0;
	[tilespmem:v3+s16+$0x0] =	vst.idx.add.f32.msk $0xffff, v1  }
.LBB2_5:
0x59: {  	s23 =	sadd.s32 $0x100, s23;
	[tilespmem:v2+s16+$0x0] =	vst.idx.add.f32.msk $0xffff, v1;
	s21 =	sadd.s32 $0x200, s21  }
0x5a: {  	v3 =	vld [tilespmem:s21+$0x30];
	p0 =	slt.u32 s23, $0x700  }
0x5b: {  	v4 =	vld [tilespmem:s21+$0x40]  }
0x5c: {  	v2 =	vld [tilespmem:s21+$0xFFFFFF00]  }
0x5d: {  	v5 =	vld [tilespmem:s21+$0x70]  }
0x5e: {  	v6 =	vld [tilespmem:s21+$0xFFFFFF50]  }
0x5f: {  	v7 =	vld [tilespmem:s21+$0xFFFFFF60]  }
0x60: {  	v8 =	vld [tilespmem:s21+$0xFFFFFF70]  }
0x61: {  	v9 =	vld [tilespmem:s21+$0x0]  }
0x62: {  	v10 =	vld [tilespmem:s21+$0x60]  }
0x63: {  	v11 =	vld [tilespmem:s21+$0x50]  }
0x64: {  	[tilespmem:v2+s16+$0x0] =	vst.idx.add.f32.msk $0xffff, v1  }
0x65: {  	[tilespmem:v5+s16+$0x0] =	vst.idx.add.f32.msk $0xffff, v1  }
0x66: {  	v2 =	vld [tilespmem:s21+$0xFFFFFF10]  }
0x67: {  	v5 =	vld [tilespmem:s21+$0xFFFFFF20]  }
0x68: {  	v12 =	vld [tilespmem:s21+$0x20]  }
0x69: {  	v13 =	vld [tilespmem:s21+$0x10]  }
0x6a: {  	[tilespmem:v10+s16+$0x0] =	vst.idx.add.f32.msk $0xffff, v1  }
0x6b: {  	[tilespmem:v11+s16+$0x0] =	vst.idx.add.f32.msk $0xffff, v1  }
0x6c: {  	[tilespmem:v4+s16+$0x0] =	vst.idx.add.f32.msk $0xffff, v1  }
0x6d: {  	[tilespmem:v3+s16+$0x0] =	vst.idx.add.f32.msk $0xffff, v1  }
0x6e: {  	v3 =	vld [tilespmem:s21+$0xFFFFFF40]  }
0x6f: {  	v4 =	vld [tilespmem:s21+$0xFFFFFF30]  }
0x70: {  	[tilespmem:v12+s16+$0x0] =	vst.idx.add.f32.msk $0xffff, v1  }
0x71: {  	[tilespmem:v13+s16+$0x0] =	vst.idx.add.f32.msk $0xffff, v1  }
0x72: {  	[tilespmem:v9+s16+$0x0] =	vst.idx.add.f32.msk $0xffff, v1  }
0x73: {  	[tilespmem:v8+s16+$0x0] =	vst.idx.add.f32.msk $0xffff, v1  }
.Ltmp1:
0x74: {  	[tilespmem:v7+s16+$0x0] =	vst.idx.add.f32.msk $0xffff, v1;
	(pc) =	sbr.rel @p0 .LBB2_5-.Ltmp1, $4  }
0x75: {  	[tilespmem:v6+s16+$0x0] =	vst.idx.add.f32.msk $0xffff, v1  }
0x76: {  	[tilespmem:v3+s16+$0x0] =	vst.idx.add.f32.msk $0xffff, v1  }
0x77: {  	[tilespmem:v4+s16+$0x0] =	vst.idx.add.f32.msk $0xffff, v1  }
0x78: {  	[tilespmem:v5+s16+$0x0] =	vst.idx.add.f32.msk $0xffff, v1  }
0x79: {  	s21 =	sadd.s32 $0x4, s20  }
0x7a: {  	p0 =	sge.u32 s21, s5  }
0x7b: {  	s21 =	sadd.s32 @!p0 s4, s21  }
0x7c: {  	s21 =	sshll.u32 @!p0 s21, $0x9  }
0x7d: {  	s20 =	sadd.s32 $0x1, s20;
	s21 =	sand.u32 @!p0 $0x1FFFFE00, s21  }
0x7e: {  	[tilespmem:v2+s16+$0x0] =	vst.idx.add.f32.msk $0xffff, v1;
	s22 =	sshll.u32 @!p0 s22, $0xC;
	s23 =	simm.s32 @!p0 $0x0;
	s21 =	sadd.s32 @!p0 s2, s21  }
0x7f: {  	[tilespmem:s22], [sflag:$0x1] =	stream.linear.gather @!p0 [hbm4b:s21+s23], $0x1000, $0x38;
	[tilespmem:$0x1D000] =	vst v63  }
0x80: {  	p0 =	sne.s32 s20, s5  }
.Ltmp2:
0x81: {  	_ = 	snop;
	(pc) =	sbr.rel @p0 .LBB2_4-.Ltmp2, $2  }
0x82: {  	_ =	sdelay $0x2  }
0x83: {  	s19 =	sadd.s32 $0x1, s19  }
0x84: {  	s18 =	sadd.s32 $0x1, s18  }
0x85: {  	p0 =	sne.s32 s18, s11  }
.Ltmp3:
0x86: {  	_ = 	snop;
	(pc) =	sbr.rel @p0 .LBB2_1-.Ltmp3, $4  }
0x87: {  	[hbm4b:s10+s3] =	stream.linear.scatter [tilespmem:s16], [sflag:$0x2], $0x19000, $0x38;
	[tilespmem:$0x1D000] =	vst v63  }
0x88: {  	_ =	swait.ge [sflag:s17], $0x19000  }
0x89: {  	[sflag:s17] =	ssyncset.done $0x0  }
0x8a: {  	[sflag:s17] =	ssyncadd.s32 $0xFFFE7000  }
0x8b: {  	_ =	sfence.sel $0x180000  }
0x8c: {  	[bflag:$0x0] =	sbarrier.arrive $0xFFFF  }
0x8d: {  	p0 =	sne.s32 s0, $0x0;
	_ =	strace $0x90000047  }
0x8e: {  	s0 =	sadd.s32 @!p0 $0x100000, s1;
	[bflag:$0x2] =	sbarrier.arrive $0xFFFF  }
0x8f: {  	[sflag:s0] =	ssyncadd.tile.s32 @!p0 $0x1;
	_ =	shalt  }
.Lfunc_end2:
_tile_overlayer_lowered:
.L_overlay_start_2:
0x90: {  	(tag) =	ssettag $0x2  }
0x91: {  	s0 =	rddreg [dreg:$0x0];
	s2 =	stileid.u32  }
0x92: {  	s1 =	rddreg [dreg:$0x1];
	p0 =	sne.s32 s2, $0x0  }
0x93: {  	s3 =	rddreg [dreg:$0x2];
	[bflag:$0x3] =	sbarrier.arrive $0xFFFF;
	s2 =	simm.s32 @!p0 $0x1C02  }
0x94: {  	[timem:s3], [sflag:s2] =	dma.local @!p0 [hbm:s0], s1  }
0x95: {  	s0 =	simm.s32 @!p0 $0x2  }
0x96: {  	_ =	swait.ge @!p0 [sflag:s0], s1  }
0x97: {  	s1 =	ssub.s32 @!p0 $0x0, s1;
	[sflag:s0] =	ssyncset.done @!p0 $0x0  }
0x98: {  	[sflag:s0] =	ssyncadd.s32 @!p0 s1  }
0x99: {  	[bflag:$0x3] =	sbarrier.arrive $0xFFFF  }
0x9a: {  	_ =	shalt  }

// kernel: kernel.8.cloned.1.call-start
scs
__scs_entry_jumppad:
0x0: {  	(pc) =	sbr.rel $0x88, $3  }
0x1: {  	(tag) =	ssettag $0x0;
	lr =	simm.s32 $0x1  }
0x2: {  	[smem:$0x3FA0] =	sst lr;
	_ =	strace $0xD0000000  }
0x3: {  	_ = 	snop  }
0x4: {  	_ = 	snop  }
0x5: {  	_ = 	snop  }
0x6: {  	_ = 	snop  }
0x7: {  	_ = 	snop  }
__scs_overlays_trampoline_lowered:
0x8: {  	[smem:$0x3FAF] =	sst s0  }
0x9: {  	[smem:$0x3FB0] =	sst s1  }
0xa: {  	[smem:$0x3FB1] =	sst s2  }
0xb: {  	[smem:$0x3FB2] =	sst s3  }
0xc: {  	[smem:$0x3FB3] =	sst s4  }
0xd: {  	[smem:$0x3FB4] =	sst s5  }
0xe: {  	[smem:$0x3FB5] =	sst s6  }
0xf: {  	[smem:$0x3FB6] =	sst s7  }
0x10: {  	[smem:$0x3FB7] =	sst s8  }
0x11: {  	[smem:$0x3FB8] =	sst s9;
	s0 =	simm.s32 @!p0 $0x0  }
0x12: {  	s1 =	sld [smem:$0x3F9E];
	s0 =	simm.s32 @p0 $0x1  }
0x13: {  	[smem:$0x3FB9] =	sst s0;
	s0 =	simm.s32 @!p1 $0x0  }
0x14: {  	s2 =	sld [smem:$0x3F9D];
	s0 =	simm.s32 @p1 $0x1  }
0x15: {  	[smem:$0x3FBA] =	sst s0;
	s0 =	simm.s32 @!p2 $0x0  }
0x16: {  	s3 =	sld [smem:$0x3FDB];
	s0 =	simm.s32 @p2 $0x1  }
0x17: {  	s4 =	simm.s32 $0x1BF5;
	[smem:$0x3FBC] =	sst s0  }
0x18: {  	s0 =	sld [smem:$0x3F9F];
	_ =	swait.ge [sflag:s4], $0x0  }
0x19: {  	s7 =	sld [smem:$0x3FA0]  }
0x1a: {  	s8 =	sadd.s32 $0xFFFFE003, lr  }
0x1b: {  	s9 =	sadd.s32 $0xFFFFFEF7, lr;
	s5 =	simm.s32 $0xFFFFFFFF;
	p2 =	slt.u32 s8, $0xFFFFF086  }
0x1c: {  	p1 =	slt.u32 s9, $0xF7A;
	s5 =	simm.s32 @!p2 $0x0  }
0x1d: {  	s5 =	simm.s32 @p1 $0x1;
	p0 =	seq.s32 s7, s2  }
0x1e: {  	s7 =	smul.u32 @!p0 $0xF7A, s2;
	p2 =	seq.s32 @!p0 s5, $0x0  }
0x1f: {  	s9 =	smul.u32 $0xF7A, s1;
	s8 =	simm.s32 @!p0 $0x1BF5;
	p2 =	por !p2, p0  }
0x20: {  	[sflag:s8] =	ssyncset.s32 @!p0 $0xFFFFF086;
	s6 =	sadd.s32 @!p0 s3, s7;
	s7 =	simm.s32 @!p0 $0x108  }
0x21: {  	s3 =	sadd.s32 s3, s9;
	s6 =	sadd.s32 @!p0 $0x88, s6;
	s7 =	simm.s32 @p2 $0x1082  }
0x22: {  	[simem:s7], [sflag:s8] =	dma.local @!p0 [hbm:s6], $0xF7A  }
0x23: {  	s9 =	sor.u32 $0xD0000000, s2;
	s6 =	simm.s32 $0x108;
	_ =	swait.ge @!p0 [sflag:s8], $0x0  }
0x24: {  	s3 =	sadd.s32 $0x88, s3;
	s6 =	simm.s32 @!p1 $0x1082;
	[sflag:s4] =	ssyncset.s32 $0xFFFFF086  }
0x25: {  	[simem:s6], [sflag:s4] =	dma.local [hbm:s3], $0xF7A  }
0x26: {  	[smem:$0x3FA0] =	sst s1;
	(tag) =	ssettag s2;
	_ =	strace s9  }
0x27: {  	s1 =	sld [smem:$0x3FB0]  }
0x28: {  	s2 =	sld [smem:$0x3FB1]  }
0x29: {  	s4 =	sld [smem:$0x3FB3]  }
0x2a: {  	p0 =	seq.s32 s5, $0x0;
	s5 =	sld [smem:$0x3FB4]  }
0x2b: {  	s6 =	sld [smem:$0x3FB5]  }
0x2c: {  	s7 =	sld [smem:$0x3FB6]  }
0x2d: {  	s3 =	simm.s32 $0x108;
	s8 =	sld [smem:$0x3FB7]  }
0x2e: {  	s3 =	simm.s32 @!p0 $0x1082;
	s9 =	sld [smem:$0x3FB8]  }
0x2f: {  	lr =	sadd.s32 s0, s3;
	s0 =	sld [smem:$0x3FAF]  }
0x30: {  	s3 =	sld [smem:$0x3FB2]  }
0x31: {  	[smem:$0x3FBB] =	sst s10  }
0x32: {  	s10 =	sld [smem:$0x3FB9];
	_ =	sdelay $0x3  }
0x33: {  	p0 =	seq.s32 s10, $0x1;
	s10 =	sld [smem:$0x3FBB];
	_ =	sdelay $0x3  }
0x34: {  	[smem:$0x3FBB] =	sst s10  }
0x35: {  	s10 =	sld [smem:$0x3FBA];
	_ =	sdelay $0x3  }
0x36: {  	p1 =	seq.s32 s10, $0x1;
	s10 =	sld [smem:$0x3FBB];
	_ =	sdelay $0x3  }
0x37: {  	[smem:$0x3FBB] =	sst s10  }
0x38: {  	s10 =	sld [smem:$0x3FBC]  }
0x39: {  	_ = 	snop;
	(pc) =	sbr.ind lr, $3  }
0x3a: {  	_ = 	snop  }
0x3b: {  	_ = 	snop  }
0x3c: {  	p2 =	seq.s32 s10, $0x1;
	s10 =	sld [smem:$0x3FBB]  }
0x3d: {  	_ =	shalt  }
0x3e: {  	_ =	shalt  }
0x3f: {  	_ =	shalt  }
0x40: {  	_ =	shalt  }
0x41: {  	_ =	shalt  }
0x42: {  	_ =	shalt  }
0x43: {  	_ =	shalt  }
0x44: {  	_ =	shalt  }
0x45: {  	_ =	shalt  }
0x46: {  	_ =	shalt  }
0x47: {  	_ =	shalt  }
0x48: {  	_ =	shalt  }
0x49: {  	_ =	shalt  }
0x4a: {  	_ =	shalt  }
0x4b: {  	_ =	shalt  }
0x4c: {  	_ =	shalt  }
0x4d: {  	_ =	shalt  }
0x4e: {  	_ =	shalt  }
0x4f: {  	_ =	shalt  }
0x50: {  	_ =	shalt  }
0x51: {  	_ =	shalt  }
0x52: {  	_ =	shalt  }
0x53: {  	_ =	shalt  }
0x54: {  	_ =	shalt  }
0x55: {  	_ =	shalt  }
0x56: {  	_ =	shalt  }
0x57: {  	_ =	shalt  }
0x58: {  	_ =	shalt  }
0x59: {  	_ =	shalt  }
0x5a: {  	_ =	shalt  }
0x5b: {  	_ =	shalt  }
0x5c: {  	_ =	shalt  }
0x5d: {  	_ =	shalt  }
0x5e: {  	_ =	shalt  }
0x5f: {  	_ =	shalt  }
0x60: {  	_ =	shalt  }
0x61: {  	_ =	shalt  }
0x62: {  	_ =	shalt  }
0x63: {  	_ =	shalt  }
0x64: {  	_ =	shalt  }
0x65: {  	_ =	shalt  }
0x66: {  	_ =	shalt  }
0x67: {  	_ =	shalt  }
0x68: {  	_ =	shalt  }
0x69: {  	_ =	shalt  }
0x6a: {  	_ =	shalt  }
0x6b: {  	_ =	shalt  }
0x6c: {  	_ =	shalt  }
0x6d: {  	_ =	shalt  }
0x6e: {  	_ =	shalt  }
0x6f: {  	_ =	shalt  }
0x70: {  	_ =	shalt  }
0x71: {  	_ =	shalt  }
0x72: {  	_ =	shalt  }
0x73: {  	_ =	shalt  }
0x74: {  	_ =	shalt  }
0x75: {  	_ =	shalt  }
0x76: {  	_ =	shalt  }
0x77: {  	_ =	shalt  }
0x78: {  	_ =	shalt  }
0x79: {  	_ =	shalt  }
0x7a: {  	_ =	shalt  }
0x7b: {  	_ =	shalt  }
0x7c: {  	_ =	shalt  }
0x7d: {  	_ =	shalt  }
0x7e: {  	_ =	shalt  }
0x7f: {  	_ =	shalt  }
0x80: {  	_ =	shalt  }
0x81: {  	_ =	shalt  }
0x82: {  	_ =	shalt  }
0x83: {  	_ =	shalt  }
0x84: {  	_ =	shalt  }
0x85: {  	_ =	shalt  }
0x86: {  	_ =	shalt  }
0x87: {  	_ =	shalt  }
.Lfunc_end0:
.L_simem_size_0:
called_computation.1_lowered:
.L_overlay_start_0:
0x88: {  	s2 =	sld [smem:$0x3FD9]  }
0x89: {  	s3 =	sld [smem:$0x3FFE];
	_ =	sdelay $0x1  }
0x8a: {  	s1 =	srdreg.scid  }
0x8b: {  	s0 =	sand.u32 $0x1, s1  }
0x8c: {  	s17 =	sshll.u32 s0, $0xA;
	s2 =	sadd.s32 s3, s2  }
0x8d: {  	s2 =	sadd.s32 s2, s17  }
0x8e: {  	[smem:$0x3FC7] =	sst s2  }
0x8f: {  	_ = 	snop  }
0x90: {  	s2 =	sld [smem:$0x3FC9]  }
0x91: {  	s18 =	sld [smem:$0x3FD0];
	(tm) =	ssettm $0x1  }
0x92: {  	s4 =	sld [smem:$0x3FFB];
	_ =	sdelay $0x3  }
0x93: {  	_ =	strace s4  }
0x94: {  	s4 =	sld [smem:$0x3FFC];
	_ =	sdelay $0x3  }
0x95: {  	_ =	strace s4  }
0x96: {  	s4 =	sld [smem:$0x3FFD];
	_ =	sdelay $0x3  }
0x97: {  	_ =	strace s4  }
0x98: {  	_ =	strace $0x8FFFFFFF  }
0x99: {  	s19 =	sld [smem:$0x3FDB];
	_ =	sdelay $0x1  }
0x9a: {  	s5 =	simm.s32 $_scs_section_size  }
0x9b: {  	s6 =	simm.s32 $_size__tile_overlayer_lowered;
	s7 =	simm.s32 $_tile_overlayer_lowered  }
0x9c: {  	s22 =	simm.s32 $0x1BFF;
	s21 =	sshll.u32 s7, $0x1;
	s4 =	sadd.s32 s5, s19  }
0x9d: {  	s8 =	simm.s32 $0x0;
	s20 =	sshll.u32 s6, $0x1;
	s6 =	sadd.s32 s21, s4  }
0x9e: {  	[timem:s8], [sflag:s22] =	dma.local [hbm:s6], s20  }
0x9f: {  	_ =	swait.ge [sflag:s22], s20  }
0xa0: {  	s5 =	ssub.s32 $0x0, s20;
	[sflag:s22] =	ssyncset.done $0x0  }
0xa1: {  	[sflag:s22] =	ssyncadd.s32 s5;
	_ =	sdelay $0x1  }
0xa2: {  	s23 =	simm.s32 $0x1B8B  }
0xa3: {  	_ =	swait.ge [sflag:s23], $0x1  }
0xa4: {  	[sflag:s23] =	ssyncset.done $0x0  }
0xa5: {  	s25 =	simm.s32 $0x1B8E;
	s24 =	sld [smem:$0x3FFE];
	[sflag:s23] =	ssyncadd.s32 $0xFFFFFFFF  }
0xa6: {  	s26 =	simm.s32 $execute0_lowered;
	[smem:$0x3FD2] =	sst s25  }
0xa7: {  	s6 =	sshll.u32 s26, $0x1;
	_ =	strace $0x80000049;
	[dreg:$0x1] =	wrdreg $0xFFFFFFFF  }
0xa8: {  	s28 =	simm.s32 $_size_execute0_lowered;
	s4 =	sadd.s32 s4, s6;
	[dreg:$0x0] =	wrdreg $0x0  }
0xa9: {  	s6 =	sshll.u32 s28, $0x1;
	[dreg:$0x2] =	wrdreg s4  }
0xaa: {  	[dreg:$0x3] =	wrdreg s6  }
0xab: {  	[dreg:$0x4] =	wrdreg $0xC0  }
0xac: {  	_ =	task [dreg:s8], $0x5FFFF  }
0xad: {  	[dreg:$0x1] =	wrdreg $0xFFFFFFFF  }
0xae: {  	[dreg:$0x0] =	wrdreg $0x60  }
0xaf: {  	[dreg:$0x2] =	wrdreg s2  }
0xb0: {  	[dreg:$0x3] =	wrdreg s24  }
0xb1: {  	[dreg:$0x4] =	wrdreg s18  }
0xb2: {  	[dreg:$0x5] =	wrdreg $0x9  }
0xb3: {  	_ =	task.clear_ibuf [dreg:s8], $0x6FFFF;
	_ =	strace $0x90000049  }
0xb4: {  	s29 =	simm.s32 $0x9;
	_ =	strace $0x8000004B  }
0xb5: {  	_ =	swait.ge [sflag:s29], $0x1  }
0xb6: {  	[sflag:s29] =	ssyncadd.s32 $0xFFFFFFFF  }
0xb7: {  	_ =	strace $0x9000004B  }
0xb8: {  	_ =	sfence  }
0xb9: {  	s30 =	sld [smem:$0x0];
	_ =	sdelay $0x2  }
0xba: {  	s31 =	sshll.u32 s1, $0xD;
	s1 =	sshrl.u32 s1, $0x2  }
0xbb: {  	s3 =	sand.u32 $0x4000, s31;
	s1 =	sadd.s32 s1, s30  }
0xbc: {  	s0 =	sor.u32 s3, s0;
	s1 =	sshll.u32 s1, $0x11  }
0xbd: {  	s0 =	sor.u32 s1, s0  }
0xbe: {  	s0 =	sadd.s32 $0x8F2B, s0  }
0xbf: {  	[sflag:s0] =	ssyncadd.remote.s32 $0x1  }
0xc0: {  	_ =	sfence.sel $0xFFFF  }
0xc1: {  	[dreg:$0x0] =	wrdreg $0xFFFFFFFF;
	(pc) =	sbr.abs _section_cstart, $3  }
0xc2: {  	[dreg:$0x1] =	wrdreg $0xFFFFFFFF  }
0xc3: {  	_ =	task.clear_ibuf [dreg:s8], $0x2FFFF;
	_ =	strace $0x9FFFFFFF  }
0xc4: {  	(tm) =	ssettm $0x7FFFFFFF  }
0xc5: {  	_ =	shalt  }
tec
execute0_lowered:
.L_overlay_start_1:
0x0: {  	(tag) =	ssettag $0x1  }
0x1: {  	s1 =	rddreg [dreg:$0x0]  }
0x2: {  	s6 =	rddreg [dreg:$0x1]  }
0x3: {  	s0 =	srdreg.scid;
	s3 =	rddreg [dreg:$0x2]  }
0x4: {  	s4 =	simm.s32 $0x0;
	s14 =	simm.s32 $0x19000;
	s15 =	simm.s32 $0x1A000  }
0x5: {  	s16 =	simm.s32 $0x1B000;
	s17 =	simm.s32 $0x1C000;
	s18 =	simm.s32 $0x3  }
0x6: {  	s19 =	simm.s32 $0x1;
	s20 =	simm.s32 $0x2;
	s5 =	sand.u32 $0x1, s0  }
0x7: {  	s21 =	simm.s32 $0x0;
	s0 =	stileid.u32;
	s2 =	sshll.u32 s5, $0x4  }
0x8: {  	[smem:$0x7FF] =	sst s4;
	s10 =	ssub.s32 $0x2, s5;
	s7 =	sor.u32 s0, s2  }
0x9: {  	s5 =	sadd.s32 $0xC00, s6;
	s2 =	rddreg [dreg:$0x3];
	s8 =	smul.u32 $0x62, s7  }
0xa: {  	_ =	strace $0x8000004A;
	s26 =	sshrl.u32 s10, $0x1;
	s9 =	smax.u32 s7, $0x15  }
0xb: {  	p0 =	slt.u32 s7, $0x15;
	s7 =	simm.s32 $0x62;
	s8 =	ssub.s32 s8, s9  }
0xc: {  	s13 =	ssub.s32 s10, s26;
	s7 =	simm.s32 @!p0 $0x61;
	s6 =	sadd.s32 $0x15, s8  }
0xd: {  	s13 =	smax.u32 s13, $0x1;
	s8 =	sshll.u32 s6, $0x9;
	s28 =	sshll.u32 s6, $0xC  }
0xe: {  	s8 =	sand.u32 $0x1FFFFE00, s8;
	s29 =	sadd.s32 $0x1000, s28;
	s11 =	sadd.s32 $0x2000, s28  }
0xf: {  	s12 =	sadd.s32 $0x3000, s28;
	s8 =	sadd.s32 s1, s8;
	s10 =	sshrl.u32 s29, $0x3  }
0x10: {  	s30 =	sshrl.u32 s11, $0x3;
	s31 =	sshrl.u32 s12, $0x3;
	s12 =	sadd.s32 $0xFFFFFFFC, s7  }
0x11: {  	s9 =	sadd.s32 s1, s10;
	s10 =	sadd.s32 s1, s30;
	s11 =	sadd.s32 s1, s31  }
.LBB2_1:
0x12: {  	[tilespmem:s14], [sflag:$0x1] =	stream.linear.gather [hbm4b:s8+s4], $0x1000, $0x38;
	[tilespmem:$0x1F000] =	vst v63  }
0x13: {  	_ = 	snop  }
0x14: {  	[tilespmem:s15], [sflag:$0x1] =	stream.linear.gather [hbm4b:s9+s4], $0x1000, $0x38;
	[tilespmem:$0x1F000] =	vst v63  }
0x15: {  	_ = 	snop  }
0x16: {  	[tilespmem:s16], [sflag:$0x1] =	stream.linear.gather [hbm4b:s10+s4], $0x1000, $0x38;
	[tilespmem:$0x1F000] =	vst v63  }
0x17: {  	_ = 	snop  }
0x18: {  	[tilespmem:s17], [sflag:$0x1] =	stream.linear.gather [hbm4b:s11+s4], $0x1000, $0x38;
	[tilespmem:$0x1F000] =	vst v63  }
0x19: {  	_ = 	snop  }
0x1a: {  	[tilespmem:s4], [sflag:$0x3] =	stream.linear.gather [hbm4b:s5+s4], $0x19000, $0x38;
	[tilespmem:$0x1F000] =	vst v63  }
0x1b: {  	_ =	swait.ge [sflag:s18], $0x19000  }
0x1c: {  	[sflag:s18] =	ssyncset.done $0x0  }
0x1d: {  	s22 =	simm.s32 $0x0;
	s23 =	simm.s32 $0x0;
	[sflag:s18] =	ssyncadd.s32 $0xFFFE7000  }
.LBB2_2:
0x1e: {  	s24 =	sand.u32 $0x3, s22  }
0x1f: {  	s25 =	sshll.u32 s24, $0xE  }
0x20: {  	s26 =	sor.u32 $0x7C0, s25  }
0x21: {  	_ =	swait.ge [sflag:s19], $0x1000;
	s26 =	sshrl.u32 s26, $0x2  }
0x22: {  	p0 =	slt.u32 s23, $0x4;
	[sflag:s19] =	ssyncset.done $0x0;
	s28 =	sor.u32 $0x600, s25;
	v0 =	vmov s26  }
0x23: {  	[sflag:s19] =	ssyncadd.s32 $0xFFFFF000;
	s28 =	sshrl.u32 s28, $0x2;
	s26 =	simm.s32 @!p0 $0x2  }
0x24: {  	v1 =	vmov s28;
	_ =	swait.ge @!p0 [sflag:s26], $0x800  }
0x25: {  	[sflag:s26] =	ssyncset.done @!p0 $0x0  }
0x26: {  	s31 =	simm.s32 $0x19000;
	[sflag:s26] =	ssyncadd.s32 @!p0 $0xFFFFF800  }
0x27: {  	v2 =	vld.idx.msk [tilespmem:v0+s31+$0xFFFFFF80 ss:$0x1], $0xffff  }
0x28: {  	v3 =	vld.idx.msk [tilespmem:v0+s31+$0x0 ss:$0x1], $0xffff  }
0x29: {  	v8 =	vld.idx.msk [tilespmem:v1+s31+$0xFFFFFF00 ss:$0x1], $0xffff  }
0x2a: {  	v9 =	vld.idx.msk [tilespmem:v1+s31+$0xFFFFFE90 ss:$0x1], $0xffff  }
0x2b: {  	v10 =	vld.idx.msk [tilespmem:v1+s31+$0xFFFFFF10 ss:$0x1], $0xffff  }
0x2c: {  	v11 =	vld.idx.msk [tilespmem:v1+s31+$0xFFFFFEA0 ss:$0x1], $0xffff  }
0x2d: {  	v12 =	vld.idx.msk [tilespmem:v1+s31+$0xFFFFFF20 ss:$0x1], $0xffff  }
0x2e: {  	v13 =	vld.idx.msk [tilespmem:v1+s31+$0xFFFFFEB0 ss:$0x1], $0xffff  }
0x2f: {  	v16 =	vld.idx.msk [tilespmem:v1+s31+$0xFFFFFF30 ss:$0x1], $0xffff  }
0x30: {  	v17 =	vld.idx.msk [tilespmem:v1+s31+$0xFFFFFEC0 ss:$0x1], $0xffff  }
0x31: {  	v18 =	vld.idx.msk [tilespmem:v1+s31+$0xFFFFFF40 ss:$0x1], $0xffff  }
0x32: {  	v19 =	vld.idx.msk [tilespmem:v1+s31+$0xFFFFFED0 ss:$0x1], $0xffff  }
0x33: {  	v20 =	vld.idx.msk [tilespmem:v1+s31+$0xFFFFFF50 ss:$0x1], $0xffff  }
0x34: {  	v21 =	vld.idx.msk [tilespmem:v1+s31+$0xFFFFFEE0 ss:$0x1], $0xffff  }
0x35: {  	v22 =	vld.idx.msk [tilespmem:v1+s31+$0xFFFFFF60 ss:$0x1], $0xffff  }
0x36: {  	v23 =	vld.idx.msk [tilespmem:v1+s31+$0xFFFFFEF0 ss:$0x1], $0xffff  }
0x37: {  	v24 =	vld.idx.msk [tilespmem:v1+s31+$0xFFFFFF70 ss:$0x1], $0xffff  }
0x38: {  	v25 =	vld.idx.msk [tilespmem:v1+s31+$0xFFFFFF80 ss:$0x1], $0xffff  }
0x39: {  	v26 =	vld.idx.msk [tilespmem:v1+s31+$0x0 ss:$0x1], $0xffff  }
0x3a: {  	v39 =	vld.idx.msk [tilespmem:v1+s31+$0xFFFFFE80 ss:$0x1], $0xffff  }
0x3b: {  	v14 =	vld.idx.msk [tilespmem:v2+s4+$0x0], $0xffff  }
0x3c: {  	v15 =	vld.idx.msk [tilespmem:v3+s4+$0x0], $0xffff  }
0x3d: {  	v8 =	vld.idx.msk [tilespmem:v8+s4+$0x0], $0xffff  }
0x3e: {  	v9 =	vld.idx.msk [tilespmem:v9+s4+$0x0], $0xffff  }
0x3f: {  	v10 =	vld.idx.msk [tilespmem:v10+s4+$0x0], $0xffff  }
0x40: {  	v11 =	vld.idx.msk [tilespmem:v11+s4+$0x0], $0xffff  }
0x41: {  	v12 =	vld.idx.msk [tilespmem:v12+s4+$0x0], $0xffff  }
0x42: {  	v13 =	vld.idx.msk [tilespmem:v13+s4+$0x0], $0xffff  }
0x43: {  	v16 =	vld.idx.msk [tilespmem:v16+s4+$0x0], $0xffff  }
0x44: {  	v39 =	vld.idx.msk [tilespmem:v39+s4+$0x0], $0xffff  }
0x45: {  	v17 =	vld.idx.msk [tilespmem:v17+s4+$0x0], $0xffff  }
0x46: {  	s28 =	sor.u32 $0x640, s25;
	v18 =	vld.idx.msk [tilespmem:v18+s4+$0x0], $0xffff  }
0x47: {  	s28 =	sshrl.u32 s28, $0x2;
	v19 =	vld.idx.msk [tilespmem:v19+s4+$0x0], $0xffff  }
0x48: {  	v2 =	vmov s28;
	v20 =	vld.idx.msk [tilespmem:v20+s4+$0x0], $0xffff  }
0x49: {  	v21 =	vld.idx.msk [tilespmem:v21+s4+$0x0], $0xffff  }
0x4a: {  	s29 =	sor.u32 $0x680, s25;
	v22 =	vld.idx.msk [tilespmem:v22+s4+$0x0], $0xffff  }
0x4b: {  	s28 =	sshrl.u32 s29, $0x2;
	v23 =	vld.idx.msk [tilespmem:v23+s4+$0x0], $0xffff  }
0x4c: {  	s29 =	sor.u32 $0x6C0, s25;
	v24 =	vld.idx.msk [tilespmem:v24+s4+$0x0], $0xffff;
	v3 =	vmov s28  }
0x4d: {  	s28 =	sshrl.u32 s29, $0x2;
	v27 =	vld.idx.msk [tilespmem:v2+s31+$0xFFFFFF80 ss:$0x1], $0xffff  }
0x4e: {  	s29 =	sor.u32 $0x700, s25;
	v4 =	vmov s28;
	v28 =	vld.idx.msk [tilespmem:v2+s31+$0x0 ss:$0x1], $0xffff  }
0x4f: {  	s28 =	sshrl.u32 s29, $0x2;
	v14 =	vmul.f32 v15, v14;
	v15 =	vld.idx.msk [tilespmem:v25+s4+$0x0], $0xffff  }
0x50: {  	s29 =	sor.u32 $0x740, s25;
	v5 =	vmov s28;
	v9 =	vmul.f32 v10, v9;
	v10 =	vld.idx.msk [tilespmem:v26+s4+$0x0], $0xffff  }
0x51: {  	s28 =	sshrl.u32 s29, $0x2;
	v29 =	vld.idx.msk [tilespmem:v3+s31+$0xFFFFFF80 ss:$0x1], $0xffff  }
0x52: {  	s25 =	sor.u32 $0x780, s25;
	v6 =	vmov s28;
	v30 =	vld.idx.msk [tilespmem:v3+s31+$0x0 ss:$0x1], $0xffff  }
0x53: {  	s25 =	sshrl.u32 s25, $0x2;
	v31 =	vld.idx.msk [tilespmem:v4+s31+$0xFFFFFF80 ss:$0x1], $0xffff  }
0x54: {  	v7 =	vmov s25;
	v32 =	vld.idx.msk [tilespmem:v4+s31+$0x0 ss:$0x1], $0xffff  }
0x55: {  	v33 =	vld.idx.msk [tilespmem:v5+s31+$0xFFFFFF80 ss:$0x1], $0xffff  }
0x56: {  	v34 =	vld.idx.msk [tilespmem:v5+s31+$0x0 ss:$0x1], $0xffff  }
0x57: {  	v35 =	vld.idx.msk [tilespmem:v6+s31+$0xFFFFFF80 ss:$0x1], $0xffff  }
0x58: {  	v36 =	vld.idx.msk [tilespmem:v6+s31+$0x0 ss:$0x1], $0xffff  }
0x59: {  	s24 =	sshll.u32 s24, $0xB;
	v37 =	vld.idx.msk [tilespmem:v7+s31+$0xFFFFFF80 ss:$0x1], $0xffff  }
0x5a: {  	s24 =	sadd.s32 $0x1D080, s24;
	v38 =	vld.idx.msk [tilespmem:v7+s31+$0x0 ss:$0x1], $0xffff  }
0x5b: {  	v11 =	vmul.f32 v12, v11;
	[tilespmem:s24+$0x70] =	vst v14;
	v12 =	vld.idx.msk [tilespmem:v27+s4+$0x0], $0xffff  }
0x5c: {  	v8 =	vmul.f32 v8, v39;
	[tilespmem:s24+$0xFFFFFF90] =	vst v9;
	v9 =	vmul.f32 v16, v13;
	v13 =	vld.idx.msk [tilespmem:v28+s4+$0x0], $0xffff  }
0x5d: {  	[tilespmem:s24+$0xFFFFFFA0] =	vst v11;
	v11 =	vld.idx.msk [tilespmem:v29+s4+$0x0], $0xffff  }
0x5e: {  	[tilespmem:s24+$0xFFFFFF80] =	vst v8;
	v8 =	vmul.f32 v20, v19;
	v14 =	vld.idx.msk [tilespmem:v30+s4+$0x0], $0xffff  }
0x5f: {  	[tilespmem:s24+$0xFFFFFFB0] =	vst v9;
	v9 =	vmul.f32 v18, v17;
	v61 =	vld.idx.msk [tilespmem:v31+s4+$0x0], $0xffff  }
0x60: {  	v63 =	vmul.f32 v24, v23;
	[tilespmem:s24+$0xFFFFFFD0] =	vst v8;
	v62 =	vld.idx.msk [tilespmem:v32+s4+$0x0], $0xffff  }
0x61: {  	[tilespmem:s24+$0xFFFFFFC0] =	vst v9;
	v9 =	vmul.f32 v22, v21;
	v8 =	vld.idx.msk [tilespmem:v33+s4+$0x0], $0xffff  }
0x62: {  	[tilespmem:s24+$0xFFFFFFF0] =	vst v63;
	v15 =	vmul.f32 v10, v15;
	v10 =	vld.idx.msk [tilespmem:v34+s4+$0x0], $0xffff  }
0x63: {  	[tilespmem:s24+$0xFFFFFFE0] =	vst v9;
	v9 =	vld.idx.msk [tilespmem:v35+s4+$0x0], $0xffff;
	v13 =	vmul.f32 v13, v12  }
0x64: {  	[tilespmem:s24+$0x0] =	vst v15;
	v12 =	vld.idx.msk [tilespmem:v36+s4+$0x0], $0xffff;
	v14 =	vmul.f32 v14, v11  }
0x65: {  	s30 =	simm.s32 $0x19200;
	s25 =	sand.u32 $0x3, s23;
	v11 =	vld.idx.msk [tilespmem:v37+s4+$0x0], $0xffff;
	[tilespmem:s24+$0x10] =	vst v13  }
0x66: {  	s29 =	simm.s32 $0x0;
	s28 =	sadd.s32 s6, s23;
	s26 =	sshll.u32 s25, $0xB;
	v13 =	vld.idx.msk [tilespmem:v38+s4+$0x0], $0xffff;
	[tilespmem:s24+$0x20] =	vst v14;
	v14 =	vmul.f32 v62, v61  }
.LBB2_3:
0x67: {  	v15 =	vld.idx.msk [tilespmem:v0+s30+$0xFFFFFF80 ss:$0x1], $0xffff  }
0x68: {  	s29 =	sadd.s32 $0x100, s29;
	v8 =	vmul.f32 v10, v8;
	v16 =	vld.idx.msk [tilespmem:v0+s30+$0x0 ss:$0x1], $0xffff;
	[tilespmem:s24+$0x30] =	vst v14  }
0x69: {  	p0 =	slt.u32 s29, $0x700;
	v10 =	vld.idx.msk [tilespmem:v1+s30+$0xFFFFFF00 ss:$0x1], $0xffff  }
0x6a: {  	v14 =	vld.idx.msk [tilespmem:v1+s30+$0xFFFFFE90 ss:$0x1], $0xffff;
	[tilespmem:s24+$0x40] =	vst v8;
	v8 =	vmul.f32 v12, v9  }
0x6b: {  	v9 =	vld.idx.msk [tilespmem:v1+s30+$0xFFFFFF10 ss:$0x1], $0xffff  }
0x6c: {  	v12 =	vld.idx.msk [tilespmem:v1+s30+$0xFFFFFEA0 ss:$0x1], $0xffff;
	[tilespmem:s24+$0x50] =	vst v8;
	v8 =	vmul.f32 v13, v11  }
0x6d: {  	v11 =	vld.idx.msk [tilespmem:v1+s30+$0xFFFFFF20 ss:$0x1], $0xffff  }
0x6e: {  	v13 =	vld.idx.msk [tilespmem:v1+s30+$0xFFFFFEB0 ss:$0x1], $0xffff;
	[tilespmem:s24+$0x60] =	vst v8  }
0x6f: {  	v8 =	vld.idx.msk [tilespmem:v15+s4+$0x0], $0xffff  }
0x70: {  	v15 =	vld.idx.msk [tilespmem:v16+s4+$0x0], $0xffff  }
0x71: {  	v16 =	vld.idx.msk [tilespmem:v1+s30+$0xFFFFFF30 ss:$0x1], $0xffff  }
0x72: {  	v17 =	vld.idx.msk [tilespmem:v1+s30+$0xFFFFFEC0 ss:$0x1], $0xffff  }
0x73: {  	v18 =	vld.idx.msk [tilespmem:v1+s30+$0xFFFFFF40 ss:$0x1], $0xffff  }
0x74: {  	v19 =	vld.idx.msk [tilespmem:v1+s30+$0xFFFFFED0 ss:$0x1], $0xffff  }
0x75: {  	v20 =	vld.idx.msk [tilespmem:v1+s30+$0xFFFFFF50 ss:$0x1], $0xffff  }
0x76: {  	v8 =	vmul.f32 v15, v8;
	v21 =	vld.idx.msk [tilespmem:v1+s30+$0xFFFFFEE0 ss:$0x1], $0xffff  }
0x77: {  	s24 =	sadd.s32 $0x100, s24;
	v15 =	vld.idx.msk [tilespmem:v1+s30+$0xFFFFFF60 ss:$0x1], $0xffff  }
0x78: {  	v22 =	vld.idx.msk [tilespmem:v1+s30+$0xFFFFFEF0 ss:$0x1], $0xffff;
	[tilespmem:s24+$0x70] =	vst v8  }
0x79: {  	v8 =	vld.idx.msk [tilespmem:v1+s30+$0xFFFFFF70 ss:$0x1], $0xffff  }
0x7a: {  	v23 =	vld.idx.msk [tilespmem:v1+s30+$0xFFFFFF80 ss:$0x1], $0xffff  }
0x7b: {  	v24 =	vld.idx.msk [tilespmem:v1+s30+$0x0 ss:$0x1], $0xffff  }
0x7c: {  	v25 =	vld.idx.msk [tilespmem:v2+s30+$0xFFFFFF80 ss:$0x1], $0xffff  }
0x7d: {  	v26 =	vld.idx.msk [tilespmem:v2+s30+$0x0 ss:$0x1], $0xffff  }
0x7e: {  	v27 =	vld.idx.msk [tilespmem:v3+s30+$0xFFFFFF80 ss:$0x1], $0xffff  }
0x7f: {  	v28 =	vld.idx.msk [tilespmem:v3+s30+$0x0 ss:$0x1], $0xffff  }
0x80: {  	v29 =	vld.idx.msk [tilespmem:v4+s30+$0xFFFFFF80 ss:$0x1], $0xffff  }
0x81: {  	v30 =	vld.idx.msk [tilespmem:v4+s30+$0x0 ss:$0x1], $0xffff  }
0x82: {  	v31 =	vld.idx.msk [tilespmem:v5+s30+$0xFFFFFF80 ss:$0x1], $0xffff  }
0x83: {  	v32 =	vld.idx.msk [tilespmem:v5+s30+$0x0 ss:$0x1], $0xffff  }
0x84: {  	v33 =	vld.idx.msk [tilespmem:v6+s30+$0xFFFFFF80 ss:$0x1], $0xffff  }
0x85: {  	v34 =	vld.idx.msk [tilespmem:v6+s30+$0x0 ss:$0x1], $0xffff  }
0x86: {  	v35 =	vld.idx.msk [tilespmem:v7+s30+$0xFFFFFF80 ss:$0x1], $0xffff  }
0x87: {  	v36 =	vld.idx.msk [tilespmem:v7+s30+$0x0 ss:$0x1], $0xffff  }
0x88: {  	v37 =	vld.idx.msk [tilespmem:v1+s30+$0xFFFFFE80 ss:$0x1], $0xffff  }
0x89: {  	v10 =	vld.idx.msk [tilespmem:v10+s4+$0x0], $0xffff  }
0x8a: {  	v14 =	vld.idx.msk [tilespmem:v14+s4+$0x0], $0xffff  }
0x8b: {  	v9 =	vld.idx.msk [tilespmem:v9+s4+$0x0], $0xffff  }
0x8c: {  	v12 =	vld.idx.msk [tilespmem:v12+s4+$0x0], $0xffff  }
0x8d: {  	v11 =	vld.idx.msk [tilespmem:v11+s4+$0x0], $0xffff  }
0x8e: {  	v13 =	vld.idx.msk [tilespmem:v13+s4+$0x0], $0xffff  }
0x8f: {  	v16 =	vld.idx.msk [tilespmem:v16+s4+$0x0], $0xffff  }
0x90: {  	v37 =	vld.idx.msk [tilespmem:v37+s4+$0x0], $0xffff  }
0x91: {  	v9 =	vmul.f32 v9, v14;
	v14 =	vld.idx.msk [tilespmem:v17+s4+$0x0], $0xffff  }
0x92: {  	v17 =	vld.idx.msk [tilespmem:v18+s4+$0x0], $0xffff  }
0x93: {  	[tilespmem:s24+$0xFFFFFF90] =	vst v9;
	v9 =	vmul.f32 v11, v12;
	v11 =	vld.idx.msk [tilespmem:v19+s4+$0x0], $0xffff  }
0x94: {  	v12 =	vld.idx.msk [tilespmem:v20+s4+$0x0], $0xffff  }
0x95: {  	[tilespmem:s24+$0xFFFFFFA0] =	vst v9;
	v9 =	vmul.f32 v16, v13;
	v13 =	vld.idx.msk [tilespmem:v21+s4+$0x0], $0xffff  }
0x96: {  	v10 =	vmul.f32 v10, v37;
	v15 =	vld.idx.msk [tilespmem:v15+s4+$0x0], $0xffff  }
0x97: {  	[tilespmem:s24+$0xFFFFFFB0] =	vst v9;
	v9 =	vld.idx.msk [tilespmem:v22+s4+$0x0], $0xffff  }
0x98: {  	[tilespmem:s24+$0xFFFFFF80] =	vst v10;
	v10 =	vmul.f32 v17, v14;
	v8 =	vld.idx.msk [tilespmem:v8+s4+$0x0], $0xffff  }
0x99: {  	v14 =	vld.idx.msk [tilespmem:v23+s4+$0x0], $0xffff  }
0x9a: {  	[tilespmem:s24+$0xFFFFFFC0] =	vst v10;
	v10 =	vmul.f32 v12, v11;
	v11 =	vld.idx.msk [tilespmem:v24+s4+$0x0], $0xffff  }
0x9b: {  	v12 =	vld.idx.msk [tilespmem:v25+s4+$0x0], $0xffff  }
0x9c: {  	[tilespmem:s24+$0xFFFFFFD0] =	vst v10;
	v10 =	vmul.f32 v15, v13;
	v13 =	vld.idx.msk [tilespmem:v26+s4+$0x0], $0xffff  }
0x9d: {  	v15 =	vld.idx.msk [tilespmem:v27+s4+$0x0], $0xffff  }
0x9e: {  	v8 =	vmul.f32 v8, v9;
	[tilespmem:s24+$0xFFFFFFE0] =	vst v10;
	v16 =	vld.idx.msk [tilespmem:v28+s4+$0x0], $0xffff  }
0x9f: {  	v17 =	vld.idx.msk [tilespmem:v29+s4+$0x0], $0xffff  }
0xa0: {  	v9 =	vmul.f32 v11, v14;
	[tilespmem:s24+$0xFFFFFFF0] =	vst v8;
	v14 =	vld.idx.msk [tilespmem:v30+s4+$0x0], $0xffff  }
0xa1: {  	v8 =	vld.idx.msk [tilespmem:v31+s4+$0x0], $0xffff  }
.Ltmp0:
0xa2: {  	v11 =	vmul.f32 v13, v12;
	[tilespmem:s24+$0x0] =	vst v9;
	v10 =	vld.idx.msk [tilespmem:v32+s4+$0x0], $0xffff;
	(pc) =	sbr.rel @p0 .LBB2_3-.Ltmp0, $4  }
0xa3: {  	v9 =	vld.idx.msk [tilespmem:v33+s4+$0x0], $0xffff  }
0xa4: {  	v13 =	vmul.f32 v16, v15;
	[tilespmem:s24+$0x10] =	vst v11;
	v12 =	vld.idx.msk [tilespmem:v34+s4+$0x0], $0xffff  }
0xa5: {  	v11 =	vld.idx.msk [tilespmem:v35+s4+$0x0], $0xffff  }
0xa6: {  	s30 =	sadd.s32 $0x200, s30;
	v14 =	vmul.f32 v14, v17;
	[tilespmem:s24+$0x20] =	vst v13;
	v13 =	vld.idx.msk [tilespmem:v36+s4+$0x0], $0xffff  }
0xa7: {  	_ =	sdelay $0x1  }
0xa8: {  	v0 =	vmul.f32 v10, v8  }
0xa9: {  	[tilespmem:s24+$0x30] =	vst v14;
	v1 =	vmul.f32 v12, v9  }
0xaa: {  	s29 =	sshll.u32 s28, $0x8;
	[tilespmem:s24+$0x40] =	vst v0;
	v63 =	vmul.f32 v13, v11  }
0xab: {  	p0 =	sge.u32 s23, s12;
	s29 =	sand.u32 $0x1FFFFF00, s29;
	[tilespmem:s24+$0x50] =	vst v1  }
0xac: {  	s26 =	sadd.s32 $0x1D000, s26;
	s31 =	sadd.s32 s3, s29;
	[tilespmem:s24+$0x60] =	vst v63;
	s24 =	sshll.u32 @!p0 s28, $0xC  }
0xad: {  	[hbm4b:s31+s4] =	stream.linear.scatter [tilespmem:s26], [sflag:$0x2], $0x800, $0x38;
	[tilespmem:$0x1F000] =	vst v63  }
0xae: {  	s24 =	sadd.s32 @!p0 $0x4000, s24  }
0xaf: {  	s23 =	sadd.s32 $0x1, s23;
	s25 =	sshll.u32 @!p0 s25, $0xC;
	s24 =	sshrl.u32 @!p0 s24, $0x3  }
0xb0: {  	s25 =	sadd.s32 @!p0 $0x19000, s25;
	s26 =	simm.s32 @!p0 $0x0;
	s24 =	sadd.s32 @!p0 s1, s24  }
0xb1: {  	[tilespmem:s25], [sflag:$0x1] =	stream.linear.gather @!p0 [hbm4b:s24+s26], $0x1000, $0x38;
	[tilespmem:$0x1F000] =	vst v63  }
0xb2: {  	p0 =	sne.s32 s23, s7  }
.Ltmp1:
0xb3: {  	_ = 	snop;
	(pc) =	sbr.rel @p0 .LBB2_2-.Ltmp1, $2  }
0xb4: {  	_ =	sdelay $0x2  }
0xb5: {  	s22 =	sadd.s32 $0x1, s22  }
0xb6: {  	_ =	swait.ge [sflag:s20], $0x800  }
0xb7: {  	[sflag:s20] =	ssyncset.done $0x0  }
0xb8: {  	[sflag:s20] =	ssyncadd.s32 $0xFFFFF800  }
0xb9: {  	_ =	swait.ge [sflag:s20], $0x800  }
0xba: {  	[sflag:s20] =	ssyncset.done $0x0  }
0xbb: {  	s21 =	sadd.s32 $0x1, s21;
	[sflag:s20] =	ssyncadd.s32 $0xFFFFF800  }
0xbc: {  	p0 =	sne.s32 s21, s13;
	_ =	swait.ge [sflag:s20], $0x800  }
.Ltmp2:
0xbd: {  	[sflag:s20] =	ssyncset.done $0x0;
	(pc) =	sbr.rel @p0 .LBB2_1-.Ltmp2, $4  }
0xbe: {  	[sflag:s20] =	ssyncadd.s32 $0xFFFFF800  }
0xbf: {  	_ =	swait.ge [sflag:s20], $0x800  }
0xc0: {  	[sflag:s20] =	ssyncset.done $0x0  }
0xc1: {  	[sflag:s20] =	ssyncadd.s32 $0xFFFFF800  }
0xc2: {  	_ =	sfence.sel $0x180000  }
0xc3: {  	[bflag:$0x0] =	sbarrier.arrive $0xFFFF  }
0xc4: {  	p0 =	sne.s32 s0, $0x0;
	_ =	strace $0x9000004A  }
0xc5: {  	s0 =	sadd.s32 @!p0 $0x100000, s2;
	[bflag:$0x2] =	sbarrier.arrive $0xFFFF  }
0xc6: {  	[sflag:s0] =	ssyncadd.tile.s32 @!p0 $0x1;
	_ =	shalt  }
.Lfunc_end2:
_tile_overlayer_lowered:
.L_overlay_start_2:
0xc7: {  	(tag) =	ssettag $0x2  }
0xc8: {  	s0 =	rddreg [dreg:$0x0];
	s2 =	stileid.u32  }
0xc9: {  	s1 =	rddreg [dreg:$0x1];
	p0 =	sne.s32 s2, $0x0  }
0xca: {  	s3 =	rddreg [dreg:$0x2];
	[bflag:$0x3] =	sbarrier.arrive $0xFFFF;
	s2 =	simm.s32 @!p0 $0x1C03  }
0xcb: {  	[timem:s3], [sflag:s2] =	dma.local @!p0 [hbm:s0], s1  }
0xcc: {  	s0 =	simm.s32 @!p0 $0x3  }
0xcd: {  	_ =	swait.ge @!p0 [sflag:s0], s1  }
0xce: {  	s1 =	ssub.s32 @!p0 $0x0, s1;
	[sflag:s0] =	ssyncset.done @!p0 $0x0  }
0xcf: {  	[sflag:s0] =	ssyncadd.s32 @!p0 s1  }
0xd0: {  	[bflag:$0x3] =	sbarrier.arrive $0xFFFF  }
0xd1: {  	_ =	shalt  }

</sc_bundles>
